<compile_context>
chip_gen: v7x
topology: tpu7x:2x2x1
jax: 0.10.2.dev20260603
libtpu: 0.0.44.dev20260713+nightly
codegen_flags: <defaults>
</compile_context>

<pallas_src>
import dataclasses

import jax
import jax.numpy as jnp
from jax import lax
from jax.experimental import pallas as pl
from jax.experimental.pallas import tpu as pltpu
from jax.experimental.pallas import tpu_sc as plsc

L = 16
C = 2048
U = 8

_CES = ((0, 1), (3, 4), (2, 4), (2, 3), (1, 4), (0, 3), (0, 2), (1, 3), (1, 2))


def _group(x_vmem, sorted_vmem, hist_vmem, sl):
    d = [x_vmem[j, sl] for j in range(5)]

    s = None
    for j in range(5):
        e = d[j].astype(jnp.int32)
        t = jnp.int32(1) << (3 * e)
        s = t if s is None else s + t
    for v in range(6):
        h = (s >> (3 * v + 3)) & 7 if v < 5 else s >> 18
        hist_vmem[v, sl] = h.astype(jnp.float32)

    c = list(d)
    for a, b in _CES:
        lo = jnp.minimum(c[a], c[b])
        hi = jnp.maximum(c[a], c[b])
        c[a], c[b] = lo, hi
    for j in range(5):
        sorted_vmem[j, sl] = c[j]


def _block_body(x_vmem, sorted_vmem, hist_vmem):
    @plsc.parallel_loop(0, C, step=L, unroll=U)
    def _(c0):
        _group(x_vmem, sorted_vmem, hist_vmem, pl.ds(c0, L))


def kernel(dice_state):
    B = dice_state.shape[0]
    x_t = dice_state.T
    mesh = plsc.VectorSubcoreMesh(core_axis_name="c", subcore_axis_name="s")
    cp = pltpu.CompilerParams()
    fields = pltpu.CompilerParams.__dataclass_fields__
    if "needs_layout_passes" in fields:
        cp = dataclasses.replace(cp, needs_layout_passes=False)
    if "use_tc_tiling_on_sc" in fields:
        cp = dataclasses.replace(cp, use_tc_tiling_on_sc=True)

    @pl.kernel(
        out_type=(
            jax.ShapeDtypeStruct((5, B), jnp.float32),
            jax.ShapeDtypeStruct((6, B), jnp.float32),
        ),
        mesh=mesh,
        compiler_params=cp,
    )
    def run(x_hbm, sorted_hbm, hist_hbm):
        pltpu.emit_pipeline(
            _block_body,
            grid=(B // C,),
            in_specs=[pl.BlockSpec((5, C), lambda i: (0, i))],
            out_specs=[
                pl.BlockSpec((5, C), lambda i: (0, i)),
                pl.BlockSpec((6, C), lambda i: (0, i)),
            ],
            core_axis_name=("c", "s"),
            dimension_semantics=(pltpu.PARALLEL,),
        )(x_hbm, sorted_hbm, hist_hbm)

    sorted_t, hist_t = run(x_t)
    return sorted_t.T, hist_t.T

# --- scband reference (transcript-rebuilt; emitter-appended) ---
"""Pipeline reference for scband-yahtzee-78254304133577 (READ-ONLY COPY).

The authoritative reference and input builder live on the scoring server;
editing this copy changes nothing except your own understanding.
"""

import jax, jax.numpy as jnp
import numpy as np

BATCH = 1048576
NUM_DICE = 5
DICE_SIDES = 6


def setup_inputs(seed: int = 0) -> dict:
    key = jax.random.key(seed)
    # dice values in [1, 6], stored as float32 exactly like the torch module
    dice_state = jax.random.randint(key, (BATCH, NUM_DICE), 1, DICE_SIDES + 1).astype(jnp.float32)
    return {"dice_state": dice_state}


def reference(dice_state):
    # Faithful JAX translation of Yahtzee.roll_dice()'s state update:
    #   state.dice_state, _ = torch.sort(state.dice_state, dim=1)
    #   state.dice_histogram = zeros(B, 6).scatter_add_(1, dice_state.long()-1, ones)
    sorted_dice = jnp.sort(dice_state, axis=1)
    idx = sorted_dice.astype(jnp.int32) - 1  # bin index per die, in [0, 5]
    B = sorted_dice.shape[0]
    rows = jnp.arange(B, dtype=jnp.int32)[:, None]
    src = jnp.ones_like(sorted_dice)
    dice_histogram = jnp.zeros((B, DICE_SIDES), dtype=jnp.float32).at[rows, idx].add(src)
    return sorted_dice, dice_histogram

if __name__ == "__main__":
    import jax
    _d = setup_inputs()
    print(jax.jit(kernel)(*tuple(_d.values())))

</pallas_src>

<mosaic_0001>
#map = affine_map<(d0, d1) -> (0, 0)>
module attributes {stable_mosaic.version = 14 : i64} {
  func.func @run(%arg0: i32, %arg1: i32, %arg2: memref<5x1048576xf32, #tpu.memory_space<hbm>>, %arg3: memref<5x1048576xf32, #tpu.memory_space<hbm>>, %arg4: memref<6x1048576xf32, #tpu.memory_space<hbm>>) attributes {dimension_semantics = [#tpu.dimension_semantics<core_parallel>, #tpu.dimension_semantics<subcore_parallel>], iteration_bounds = array<i64: 2, 16>, scalar_prefetch = 0 : i64, scratch_operands = 0 : i64, tpu.core_type = #tpu.core_type<sc_vector_subcore>, window_params = [{transform_indices = #map}, {transform_indices = #map}, {transform_indices = #map}]} {
    %mul3A = arith.constant 1 : i32
    %mul3A_0 = arith.muli %arg1, %mul3A : i32
    %add3A = arith.constant 0 : i32
    %add3A_1 = arith.addi %add3A, %mul3A_0 : i32
    %mul3A_2 = arith.constant 16 : i32
    %mul3A_3 = arith.muli %arg0, %mul3A_2 : i32
    %add3A_4 = arith.addi %add3A_1, %mul3A_3 : i32
    %mul3A_5 = arith.constant 16 : i32
    %mul3A_6 = arith.muli %add3A_4, %mul3A_5 : i32
    "tpu.region"() ({
      %run_scoped3A = memref.alloca() : memref<2x5x2048xf32, #tpu.memory_space<vmem>>
      %run_scoped3A_7 = tpu.sem_alloc : memref<2x!tpu.dma_semaphore, #tpu.memory_space<semaphore_mem>>
      %run_scoped3A_8 = memref.alloca() : memref<2x5x2048xf32, #tpu.memory_space<vmem>>
      %run_scoped3A_9 = tpu.sem_alloc : memref<2x!tpu.dma_semaphore, #tpu.memory_space<semaphore_mem>>
      %run_scoped3A_10 = memref.alloca() : memref<2x6x2048xf32, #tpu.memory_space<vmem>>
      %run_scoped3A_11 = tpu.sem_alloc : memref<2x!tpu.dma_semaphore, #tpu.memory_space<semaphore_mem>>
      %add3A_12 = arith.constant 0 : i32
      %add3A_13 = arith.addi %add3A_12, %mul3A_6 : i32
      %select_n3A = arith.constant true
      %select_n3A_14 = arith.constant 0 : i32
      %select_n3A_15 = arith.constant -1 : i32
      %select_n3A_16 = arith.select %select_n3A, %select_n3A_15, %select_n3A_14 : i32
      %eq3A = arith.constant -1 : i32
      %eq3A_17 = arith.cmpi eq, %select_n3A_16, %eq3A : i32
      %select_n3A_18 = arith.constant 15 : i32
      %select_n3A_19 = arith.select %eq3A_17, %select_n3A_18, %select_n3A_16 : i32
      %add3A_20 = arith.addi %select_n3A_19, %mul3A_6 : i32
      %select_n3A_21 = arith.constant true
      %select_n3A_22 = arith.constant 0 : i32
      %select_n3A_23 = arith.constant 1 : i32
      %select_n3A_24 = arith.select %select_n3A_21, %select_n3A_23, %select_n3A_22 : i32
      %eq3A_25 = arith.constant 16 : i32
      %eq3A_26 = arith.cmpi eq, %select_n3A_24, %eq3A_25 : i32
      %select_n3A_27 = arith.constant 0 : i32
      %select_n3A_28 = arith.select %eq3A_26, %select_n3A_27, %select_n3A_24 : i32
      %add3A_29 = arith.addi %select_n3A_28, %mul3A_6 : i32
      %add3A_30 = arith.constant 1 : i32
      %add3A_31 = arith.addi %select_n3A_28, %add3A_30 : i32
      %select_n3A_32 = arith.constant true
      %select_n3A_33 = arith.select %select_n3A_32, %add3A_31, %select_n3A_28 : i32
      %eq3A_34 = arith.constant 16 : i32
      %eq3A_35 = arith.cmpi eq, %select_n3A_33, %eq3A_34 : i32
      %select_n3A_36 = arith.constant 0 : i32
      %select_n3A_37 = arith.select %eq3A_35, %select_n3A_36, %select_n3A_33 : i32
      %add3A_38 = arith.addi %select_n3A_37, %mul3A_6 : i32
      "tpu.trace_start"() <{level = 10 : i32, message = "ep_initialize_0"}> : () -> ()
      %rem3A = arith.constant 0 : i32
      %rem3A_39 = arith.constant 2 : i32
      %rem3A_40 = arith.remui %rem3A, %rem3A_39 : i32
      %mul3A_41 = arith.constant 2048 : i32
      %mul3A_42 = arith.muli %mul3A_41, %add3A_13 : i32
      %dma_start3A = arith.constant 0 : i32
      %dma_start3A_43 = arith.constant 0 : i32
      %dma_start3A_44 = tpu.memref_slice %run_scoped3A[%rem3A_40, %dma_start3A, %dma_start3A_43] : memref<2x5x2048xf32, #tpu.memory_space<vmem>> -> memref<1x5x2048xf32, #tpu.memory_space<vmem>>
      %dma_start3A_45 = tpu.memref_squeeze %dma_start3A_44 : memref<1x5x2048xf32, #tpu.memory_space<vmem>> -> memref<5x2048xf32, #tpu.memory_space<vmem>>
      %dma_start3A_46 = arith.constant 0 : i32
      %dma_start3A_47 = tpu.memref_slice %arg2[%dma_start3A_46, %mul3A_42] : memref<5x1048576xf32, #tpu.memory_space<hbm>> -> memref<5x2048xf32, #tpu.memory_space<hbm>>
      %dma_start3A_48 = tpu.memref_slice %run_scoped3A_7[%rem3A_40] : memref<2x!tpu.dma_semaphore, #tpu.memory_space<semaphore_mem>> -> memref<1x!tpu.dma_semaphore, #tpu.memory_space<semaphore_mem>>
      %dma_start3A_49 = tpu.memref_squeeze %dma_start3A_48 : memref<1x!tpu.dma_semaphore, #tpu.memory_space<semaphore_mem>> -> memref<!tpu.dma_semaphore, #tpu.memory_space<semaphore_mem>>
      %dma_start3A_50 = arith.constant 0 : i32
      %dma_start3A_51 = arith.constant 0 : i32
      %dma_start3A_52 = tpu.memref_slice %run_scoped3A[%rem3A_40, %dma_start3A_50, %dma_start3A_51] : memref<2x5x2048xf32, #tpu.memory_space<vmem>> -> memref<1x5x2048xf32, #tpu.memory_space<vmem>>
      %dma_start3A_53 = tpu.memref_squeeze %dma_start3A_52 : memref<1x5x2048xf32, #tpu.memory_space<vmem>> -> memref<5x2048xf32, #tpu.memory_space<vmem>>
      %dma_start3A_54 = arith.constant 0 : i32
      %dma_start3A_55 = tpu.memref_slice %arg2[%dma_start3A_54, %mul3A_42] : memref<5x1048576xf32, #tpu.memory_space<hbm>> -> memref<5x2048xf32, #tpu.memory_space<hbm>>
      tpu.enqueue_dma source(%dma_start3A_55 : memref<5x2048xf32, #tpu.memory_space<hbm>>) target(%dma_start3A_53 : memref<5x2048xf32, #tpu.memory_space<vmem>>) target_semaphore(%dma_start3A_49 : memref<!tpu.dma_semaphore, #tpu.memory_space<semaphore_mem>>)
      %add3A_56 = arith.constant 0 : i32
      %add3A_57 = arith.constant 1 : i32
      %add3A_58 = arith.addi %add3A_56, %add3A_57 : i32
      %select_n3A_59 = arith.constant true
      %select_n3A_60 = arith.constant 0 : i32
      %select_n3A_61 = arith.select %select_n3A_59, %add3A_58, %select_n3A_60 : i32
      "tpu.trace_stop"() : () -> ()
      %scan3A = arith.constant 0 : i32
      %scan3A_62 = arith.constant 0 : i32
      %scan3A_63 = arith.constant 0 : i32
      %scan3A_64 = arith.constant 0 : i32
      %scan3A_65 = arith.constant 0 : i32
      %scan3A_66 = arith.constant 0 : i32
      %scan3A_67 = arith.constant 0 : i32
      %scan3A_68 = arith.constant 16 : i32
      %scan3A_69 = arith.addi %scan3A_67, %scan3A_68 : i32
      %scan3A_70 = arith.constant 1 : i32
      %scan3A_71:7 = scf.for %scan3A_143 = %scan3A_67 to %scan3A_69 step %scan3A_70 iter_args(%scan3A_144 = %select_n3A_61, %scan3A_145 = %scan3A, %scan3A_146 = %scan3A_62, %scan3A_147 = %scan3A_63, %scan3A_148 = %scan3A_64, %scan3A_149 = %scan3A_65, %scan3A_150 = %scan3A_66) -> (i32, i32, i32, i32, i32, i32, i32)  : i32 {
        %eq3A_151 = arith.constant 0 : i32
        %eq3A_152 = arith.cmpi eq, %scan3A_143, %eq3A_151 : i32
        %eq3A_153 = arith.constant 15 : i32
        %eq3A_154 = arith.cmpi eq, %scan3A_143, %eq3A_153 : i32
        %add3A_155 = arith.addi %scan3A_150, %mul3A_6 : i32
        %sub3A_156 = arith.constant 1 : i32
        %sub3A_157 = arith.subi %scan3A_150, %sub3A_156 : i32
        %select_n3A_158 = arith.constant true
        %select_n3A_159 = arith.select %select_n3A_158, %sub3A_157, %scan3A_150 : i32
        %eq3A_160 = arith.constant -1 : i32
        %eq3A_161 = arith.cmpi eq, %select_n3A_159, %eq3A_160 : i32
        %select_n3A_162 = arith.constant 15 : i32
        %select_n3A_163 = arith.select %eq3A_161, %select_n3A_162, %select_n3A_159 : i32
        %add3A_164 = arith.addi %select_n3A_163, %mul3A_6 : i32
        %add3A_165 = arith.constant 1 : i32
        %add3A_166 = arith.addi %scan3A_150, %add3A_165 : i32
        %select_n3A_167 = arith.constant true
        %select_n3A_168 = arith.select %select_n3A_167, %add3A_166, %scan3A_150 : i32
        %eq3A_169 = arith.constant 16 : i32
        %eq3A_170 = arith.cmpi eq, %select_n3A_168, %eq3A_169 : i32
        %select_n3A_171 = arith.constant 0 : i32
        %select_n3A_172 = arith.select %eq3A_170, %select_n3A_171, %select_n3A_168 : i32
        %add3A_173 = arith.addi %select_n3A_172, %mul3A_6 : i32
        %add3A_174 = arith.constant 1 : i32
        %add3A_175 = arith.addi %select_n3A_172, %add3A_174 : i32
        %select_n3A_176 = arith.constant true
        %select_n3A_177 = arith.select %select_n3A_176, %add3A_175, %select_n3A_172 : i32
        %eq3A_178 = arith.constant 16 : i32
        %eq3A_179 = arith.cmpi eq, %select_n3A_177, %eq3A_178 : i32
        %select_n3A_180 = arith.constant 0 : i32
        %select_n3A_181 = arith.select %eq3A_179, %select_n3A_180, %select_n3A_177 : i32
        %add3A_182 = arith.addi %select_n3A_181, %mul3A_6 : i32
        %ne3A = arith.cmpi ne, %add3A_155, %add3A_173 : i32
        %or3A = arith.constant false
        %or3A_183 = arith.ori %or3A, %ne3A : i1
        %ge3A = arith.constant 15 : i32
        %ge3A_184 = arith.cmpi sge, %scan3A_143, %ge3A : i32
        %not3A = arith.constant true
        %not3A_185 = arith.xori %ge3A_184, %not3A : i1
        %and3A = arith.andi %or3A_183, %not3A_185 : i1
        %convert_element_type3A = arith.extui %and3A : i1 to i32
        %cond3A = arith.constant 0 : i32
        %cond3A_186 = arith.cmpi ne, %convert_element_type3A, %cond3A : i32
        scf.if %cond3A_186 {
          "tpu.trace_start"() <{level = 10 : i32, message = "ep_copy_in"}> : () -> ()
          %rem3A_324 = arith.constant 2 : i32
          %rem3A_325 = arith.remui %scan3A_144, %rem3A_324 : i32
          %mul3A_326 = arith.constant 2048 : i32
          %mul3A_327 = arith.muli %mul3A_326, %add3A_173 : i32
          %dma_start3A_328 = arith.constant 0 : i32
          %dma_start3A_329 = arith.constant 0 : i32
          %dma_start3A_330 = tpu.memref_slice %run_scoped3A[%rem3A_325, %dma_start3A_328, %dma_start3A_329] : memref<2x5x2048xf32, #tpu.memory_space<vmem>> -> memref<1x5x2048xf32, #tpu.memory_space<vmem>>
          %dma_start3A_331 = tpu.memref_squeeze %dma_start3A_330 : memref<1x5x2048xf32, #tpu.memory_space<vmem>> -> memref<5x2048xf32, #tpu.memory_space<vmem>>
          %dma_start3A_332 = arith.constant 0 : i32
          %dma_start3A_333 = tpu.memref_slice %arg2[%dma_start3A_332, %mul3A_327] : memref<5x1048576xf32, #tpu.memory_space<hbm>> -> memref<5x2048xf32, #tpu.memory_space<hbm>>
          %dma_start3A_334 = tpu.memref_slice %run_scoped3A_7[%rem3A_325] : memref<2x!tpu.dma_semaphore, #tpu.memory_space<semaphore_mem>> -> memref<1x!tpu.dma_semaphore, #tpu.memory_space<semaphore_mem>>
          %dma_start3A_335 = tpu.memref_squeeze %dma_start3A_334 : memref<1x!tpu.dma_semaphore, #tpu.memory_space<semaphore_mem>> -> memref<!tpu.dma_semaphore, #tpu.memory_space<semaphore_mem>>
          %dma_start3A_336 = arith.constant 0 : i32
          %dma_start3A_337 = arith.constant 0 : i32
          %dma_start3A_338 = tpu.memref_slice %run_scoped3A[%rem3A_325, %dma_start3A_336, %dma_start3A_337] : memref<2x5x2048xf32, #tpu.memory_space<vmem>> -> memref<1x5x2048xf32, #tpu.memory_space<vmem>>
          %dma_start3A_339 = tpu.memref_squeeze %dma_start3A_338 : memref<1x5x2048xf32, #tpu.memory_space<vmem>> -> memref<5x2048xf32, #tpu.memory_space<vmem>>
          %dma_start3A_340 = arith.constant 0 : i32
          %dma_start3A_341 = tpu.memref_slice %arg2[%dma_start3A_340, %mul3A_327] : memref<5x1048576xf32, #tpu.memory_space<hbm>> -> memref<5x2048xf32, #tpu.memory_space<hbm>>
          tpu.enqueue_dma source(%dma_start3A_341 : memref<5x2048xf32, #tpu.memory_space<hbm>>) target(%dma_start3A_339 : memref<5x2048xf32, #tpu.memory_space<vmem>>) target_semaphore(%dma_start3A_335 : memref<!tpu.dma_semaphore, #tpu.memory_space<semaphore_mem>>)
          "tpu.trace_stop"() : () -> ()
        } else {
        }
        %and3A_187 = arith.constant true
        %and3A_188 = arith.andi %and3A, %and3A_187 : i1
        %add3A_189 = arith.constant 1 : i32
        %add3A_190 = arith.addi %scan3A_144, %add3A_189 : i32
        %select_n3A_191 = arith.select %and3A_188, %add3A_190, %scan3A_144 : i32
        %ne3A_192 = arith.cmpi ne, %add3A_155, %add3A_173 : i32
        %or3A_193 = arith.constant false
        %or3A_194 = arith.ori %or3A_193, %ne3A_192 : i1
        %ge3A_195 = arith.constant 15 : i32
        %ge3A_196 = arith.cmpi sge, %scan3A_143, %ge3A_195 : i32
        %not3A_197 = arith.constant true
        %not3A_198 = arith.xori %ge3A_196, %not3A_197 : i1
        %and3A_199 = arith.andi %or3A_194, %not3A_198 : i1
        %ne3A_200 = arith.cmpi ne, %add3A_155, %add3A_173 : i32
        %or3A_201 = arith.constant false
        %or3A_202 = arith.ori %or3A_201, %ne3A_200 : i1
        %ge3A_203 = arith.constant 15 : i32
        %ge3A_204 = arith.cmpi sge, %scan3A_143, %ge3A_203 : i32
        %not3A_205 = arith.constant true
        %not3A_206 = arith.xori %ge3A_204, %not3A_205 : i1
        %and3A_207 = arith.andi %or3A_202, %not3A_206 : i1
        %ne3A_208 = arith.cmpi ne, %add3A_155, %add3A_164 : i32
        %or3A_209 = arith.constant false
        %or3A_210 = arith.ori %or3A_209, %ne3A_208 : i1
        %or3A_211 = arith.ori %or3A_210, %eq3A_152 : i1
        %convert_element_type3A_212 = arith.extui %or3A_211 : i1 to i32
        %cond3A_213 = arith.constant 0 : i32
        %cond3A_214 = arith.cmpi ne, %convert_element_type3A_212, %cond3A_213 : i32
        scf.if %cond3A_214 {
          "tpu.trace_start"() <{level = 10 : i32, message = "ep_wait_in"}> : () -> ()
          %mul3A_324 = arith.constant 2048 : i32
          %mul3A_325 = arith.muli %mul3A_324, %add3A_155 : i32
          %rem3A_326 = arith.constant 2 : i32
          %rem3A_327 = arith.remui %scan3A_145, %rem3A_326 : i32
          %dma_wait3A_328 = arith.constant 0 : i32
          %dma_wait3A_329 = arith.constant 0 : i32
          %dma_wait3A_330 = tpu.memref_slice %run_scoped3A[%rem3A_327, %dma_wait3A_328, %dma_wait3A_329] : memref<2x5x2048xf32, #tpu.memory_space<vmem>> -> memref<1x5x2048xf32, #tpu.memory_space<vmem>>
          %dma_wait3A_331 = tpu.memref_squeeze %dma_wait3A_330 : memref<1x5x2048xf32, #tpu.memory_space<vmem>> -> memref<5x2048xf32, #tpu.memory_space<vmem>>
          %dma_wait3A_332 = arith.constant 0 : i32
          %dma_wait3A_333 = tpu.memref_slice %arg2[%dma_wait3A_332, %mul3A_325] : memref<5x1048576xf32, #tpu.memory_space<hbm>> -> memref<5x2048xf32, #tpu.memory_space<hbm>>
          %dma_wait3A_334 = tpu.memref_slice %run_scoped3A_7[%rem3A_327] : memref<2x!tpu.dma_semaphore, #tpu.memory_space<semaphore_mem>> -> memref<1x!tpu.dma_semaphore, #tpu.memory_space<semaphore_mem>>
          %dma_wait3A_335 = tpu.memref_squeeze %dma_wait3A_334 : memref<1x!tpu.dma_semaphore, #tpu.memory_space<semaphore_mem>> -> memref<!tpu.dma_semaphore, #tpu.memory_space<semaphore_mem>>
          %dma_wait3A_336 = arith.constant 0 : i32
          %dma_wait3A_337 = arith.constant 0 : i32
          %dma_wait3A_338 = tpu.memref_slice %run_scoped3A[%rem3A_327, %dma_wait3A_336, %dma_wait3A_337] : memref<2x5x2048xf32, #tpu.memory_space<vmem>> -> memref<1x5x2048xf32, #tpu.memory_space<vmem>>
          %dma_wait3A_339 = tpu.memref_squeeze %dma_wait3A_338 : memref<1x5x2048xf32, #tpu.memory_space<vmem>> -> memref<5x2048xf32, #tpu.memory_space<vmem>>
          %dma_wait3A_340 = arith.constant 0 : i32
          %dma_wait3A_341 = tpu.memref_slice %arg2[%dma_wait3A_340, %mul3A_325] : memref<5x1048576xf32, #tpu.memory_space<hbm>> -> memref<5x2048xf32, #tpu.memory_space<hbm>>
          tpu.wait_dma2 semaphore(%dma_wait3A_335 : memref<!tpu.dma_semaphore, #tpu.memory_space<semaphore_mem>>) src(%dma_wait3A_341 : memref<5x2048xf32, #tpu.memory_space<hbm>>) dst(%dma_wait3A_339 : memref<5x2048xf32, #tpu.memory_space<vmem>>)
          "tpu.trace_stop"() : () -> ()
        } else {
        }
        %ne3A_215 = arith.cmpi ne, %add3A_155, %add3A_164 : i32
        %or3A_216 = arith.constant false
        %or3A_217 = arith.ori %or3A_216, %ne3A_215 : i1
        %or3A_218 = arith.ori %or3A_217, %eq3A_152 : i1
        %convert_element_type3A_219 = arith.extui %or3A_218 : i1 to i32
        %cond3A_220 = arith.constant 0 : i32
        %cond3A_221 = arith.cmpi ne, %convert_element_type3A_219, %cond3A_220 : i32
        scf.if %cond3A_221 {
        } else {
        }
        %ne3A_222 = arith.cmpi ne, %add3A_155, %add3A_164 : i32
        %or3A_223 = arith.constant false
        %or3A_224 = arith.ori %or3A_223, %ne3A_222 : i1
        %or3A_225 = arith.ori %or3A_224, %eq3A_152 : i1
        %convert_element_type3A_226 = arith.extui %or3A_225 : i1 to i32
        %cond3A_227 = arith.constant 0 : i32
        %cond3A_228 = arith.cmpi ne, %convert_element_type3A_226, %cond3A_227 : i32
        scf.if %cond3A_228 {
        } else {
        }
        %rem3A_229 = arith.constant 2 : i32
        %rem3A_230 = arith.remui %scan3A_145, %rem3A_229 : i32
        %rem3A_231 = arith.constant 2 : i32
        %rem3A_232 = arith.remui %scan3A_146, %rem3A_231 : i32
        %rem3A_233 = arith.constant 2 : i32
        %rem3A_234 = arith.remui %scan3A_148, %rem3A_233 : i32
        %parallel_loop3A = arith.constant 0 : i32
        %parallel_loop3A_235 = arith.constant 2048 : i32
        %parallel_loop3A_236 = arith.constant 16 : i32
        "tpu.trace_start"() <{level = 10 : i32, message = "ep_run_kernel"}> : () -> ()
        scf.for %parallel_loop3A_324 = %parallel_loop3A to %parallel_loop3A_235 step %parallel_loop3A_236  : i32 {
          %parallel_loop3A_325 = arith.constant 0 : i32
          %parallel_loop3A_326 = arith.constant 0 : i32
          %parallel_loop3A_327 = arith.constant 0 : i32
          %parallel_loop3A_328 = tpu.memref_slice %run_scoped3A[%rem3A_230, %parallel_loop3A_326, %parallel_loop3A_327] : memref<2x5x2048xf32, #tpu.memory_space<vmem>> -> memref<1x5x2048xf32, #tpu.memory_space<vmem>>
          %parallel_loop3A_329 = tpu.memref_squeeze %parallel_loop3A_328 : memref<1x5x2048xf32, #tpu.memory_space<vmem>> -> memref<5x2048xf32, #tpu.memory_space<vmem>>
          %parallel_loop3A_330 = arith.index_cast %parallel_loop3A_325 : i32 to index
          %parallel_loop3A_331 = arith.index_cast %parallel_loop3A_324 : i32 to index
          %parallel_loop3A_332 = tpu.vector_load %parallel_loop3A_329[%parallel_loop3A_330, %parallel_loop3A_331] {strides = array<i32>} : memref<5x2048xf32, #tpu.memory_space<vmem>>, vector<16xf32>,
          %parallel_loop3A_333 = arith.constant 1 : i32
          %parallel_loop3A_334 = arith.constant 0 : i32
          %parallel_loop3A_335 = arith.constant 0 : i32
          %parallel_loop3A_336 = tpu.memref_slice %run_scoped3A[%rem3A_230, %parallel_loop3A_334, %parallel_loop3A_335] : memref<2x5x2048xf32, #tpu.memory_space<vmem>> -> memref<1x5x2048xf32, #tpu.memory_space<vmem>>
          %parallel_loop3A_337 = tpu.memref_squeeze %parallel_loop3A_336 : memref<1x5x2048xf32, #tpu.memory_space<vmem>> -> memref<5x2048xf32, #tpu.memory_space<vmem>>
          %parallel_loop3A_338 = arith.index_cast %parallel_loop3A_333 : i32 to index
          %parallel_loop3A_339 = arith.index_cast %parallel_loop3A_324 : i32 to index
          %parallel_loop3A_340 = tpu.vector_load %parallel_loop3A_337[%parallel_loop3A_338, %parallel_loop3A_339] {strides = array<i32>} : memref<5x2048xf32, #tpu.memory_space<vmem>>, vector<16xf32>,
          %parallel_loop3A_341 = arith.constant 2 : i32
          %parallel_loop3A_342 = arith.constant 0 : i32
          %parallel_loop3A_343 = arith.constant 0 : i32
          %parallel_loop3A_344 = tpu.memref_slice %run_scoped3A[%rem3A_230, %parallel_loop3A_342, %parallel_loop3A_343] : memref<2x5x2048xf32, #tpu.memory_space<vmem>> -> memref<1x5x2048xf32, #tpu.memory_space<vmem>>
          %parallel_loop3A_345 = tpu.memref_squeeze %parallel_loop3A_344 : memref<1x5x2048xf32, #tpu.memory_space<vmem>> -> memref<5x2048xf32, #tpu.memory_space<vmem>>
          %parallel_loop3A_346 = arith.index_cast %parallel_loop3A_341 : i32 to index
          %parallel_loop3A_347 = arith.index_cast %parallel_loop3A_324 : i32 to index
          %parallel_loop3A_348 = tpu.vector_load %parallel_loop3A_345[%parallel_loop3A_346, %parallel_loop3A_347] {strides = array<i32>} : memref<5x2048xf32, #tpu.memory_space<vmem>>, vector<16xf32>,
          %parallel_loop3A_349 = arith.constant 3 : i32
          %parallel_loop3A_350 = arith.constant 0 : i32
          %parallel_loop3A_351 = arith.constant 0 : i32
          %parallel_loop3A_352 = tpu.memref_slice %run_scoped3A[%rem3A_230, %parallel_loop3A_350, %parallel_loop3A_351] : memref<2x5x2048xf32, #tpu.memory_space<vmem>> -> memref<1x5x2048xf32, #tpu.memory_space<vmem>>
          %parallel_loop3A_353 = tpu.memref_squeeze %parallel_loop3A_352 : memref<1x5x2048xf32, #tpu.memory_space<vmem>> -> memref<5x2048xf32, #tpu.memory_space<vmem>>
          %parallel_loop3A_354 = arith.index_cast %parallel_loop3A_349 : i32 to index
          %parallel_loop3A_355 = arith.index_cast %parallel_loop3A_324 : i32 to index
          %parallel_loop3A_356 = tpu.vector_load %parallel_loop3A_353[%parallel_loop3A_354, %parallel_loop3A_355] {strides = array<i32>} : memref<5x2048xf32, #tpu.memory_space<vmem>>, vector<16xf32>,
          %parallel_loop3A_357 = arith.constant 4 : i32
          %parallel_loop3A_358 = arith.constant 0 : i32
          %parallel_loop3A_359 = arith.constant 0 : i32
          %parallel_loop3A_360 = tpu.memref_slice %run_scoped3A[%rem3A_230, %parallel_loop3A_358, %parallel_loop3A_359] : memref<2x5x2048xf32, #tpu.memory_space<vmem>> -> memref<1x5x2048xf32, #tpu.memory_space<vmem>>
          %parallel_loop3A_361 = tpu.memref_squeeze %parallel_loop3A_360 : memref<1x5x2048xf32, #tpu.memory_space<vmem>> -> memref<5x2048xf32, #tpu.memory_space<vmem>>
          %parallel_loop3A_362 = arith.index_cast %parallel_loop3A_357 : i32 to index
          %parallel_loop3A_363 = arith.index_cast %parallel_loop3A_324 : i32 to index
          %parallel_loop3A_364 = tpu.vector_load %parallel_loop3A_361[%parallel_loop3A_362, %parallel_loop3A_363] {strides = array<i32>} : memref<5x2048xf32, #tpu.memory_space<vmem>>, vector<16xf32>,
          %parallel_loop3A_365 = arith.fptosi %parallel_loop3A_332 : vector<16xf32> to vector<16xi32>
          %parallel_loop3A_366 = arith.constant 3 : i32
          %parallel_loop3A_367 = vector.broadcast %parallel_loop3A_366 : i32 to vector<16xi32>
          %parallel_loop3A_368 = arith.muli %parallel_loop3A_367, %parallel_loop3A_365 : vector<16xi32>
          %parallel_loop3A_369 = arith.constant 1 : i32
          %parallel_loop3A_370 = vector.broadcast %parallel_loop3A_369 : i32 to vector<16xi32>
          %parallel_loop3A_371 = arith.shli %parallel_loop3A_370, %parallel_loop3A_368 : vector<16xi32>
          %parallel_loop3A_372 = arith.fptosi %parallel_loop3A_340 : vector<16xf32> to vector<16xi32>
          %parallel_loop3A_373 = arith.constant 3 : i32
          %parallel_loop3A_374 = vector.broadcast %parallel_loop3A_373 : i32 to vector<16xi32>
          %parallel_loop3A_375 = arith.muli %parallel_loop3A_374, %parallel_loop3A_372 : vector<16xi32>
          %parallel_loop3A_376 = arith.constant 1 : i32
          %parallel_loop3A_377 = vector.broadcast %parallel_loop3A_376 : i32 to vector<16xi32>
          %parallel_loop3A_378 = arith.shli %parallel_loop3A_377, %parallel_loop3A_375 : vector<16xi32>
          %parallel_loop3A_379 = arith.addi %parallel_loop3A_371, %parallel_loop3A_378 : vector<16xi32>
          %parallel_loop3A_380 = arith.fptosi %parallel_loop3A_348 : vector<16xf32> to vector<16xi32>
          %parallel_loop3A_381 = arith.constant 3 : i32
          %parallel_loop3A_382 = vector.broadcast %parallel_loop3A_381 : i32 to vector<16xi32>
          %parallel_loop3A_383 = arith.muli %parallel_loop3A_382, %parallel_loop3A_380 : vector<16xi32>
          %parallel_loop3A_384 = arith.constant 1 : i32
          %parallel_loop3A_385 = vector.broadcast %parallel_loop3A_384 : i32 to vector<16xi32>
          %parallel_loop3A_386 = arith.shli %parallel_loop3A_385, %parallel_loop3A_383 : vector<16xi32>
          %parallel_loop3A_387 = arith.addi %parallel_loop3A_379, %parallel_loop3A_386 : vector<16xi32>
          %parallel_loop3A_388 = arith.fptosi %parallel_loop3A_356 : vector<16xf32> to vector<16xi32>
          %parallel_loop3A_389 = arith.constant 3 : i32
          %parallel_loop3A_390 = vector.broadcast %parallel_loop3A_389 : i32 to vector<16xi32>
          %parallel_loop3A_391 = arith.muli %parallel_loop3A_390, %parallel_loop3A_388 : vector<16xi32>
          %parallel_loop3A_392 = arith.constant 1 : i32
          %parallel_loop3A_393 = vector.broadcast %parallel_loop3A_392 : i32 to vector<16xi32>
          %parallel_loop3A_394 = arith.shli %parallel_loop3A_393, %parallel_loop3A_391 : vector<16xi32>
          %parallel_loop3A_395 = arith.addi %parallel_loop3A_387, %parallel_loop3A_394 : vector<16xi32>
          %parallel_loop3A_396 = arith.fptosi %parallel_loop3A_364 : vector<16xf32> to vector<16xi32>
          %parallel_loop3A_397 = arith.constant 3 : i32
          %parallel_loop3A_398 = vector.broadcast %parallel_loop3A_397 : i32 to vector<16xi32>
          %parallel_loop3A_399 = arith.muli %parallel_loop3A_398, %parallel_loop3A_396 : vector<16xi32>
          %parallel_loop3A_400 = arith.constant 1 : i32
          %parallel_loop3A_401 = vector.broadcast %parallel_loop3A_400 : i32 to vector<16xi32>
          %parallel_loop3A_402 = arith.shli %parallel_loop3A_401, %parallel_loop3A_399 : vector<16xi32>
          %parallel_loop3A_403 = arith.addi %parallel_loop3A_395, %parallel_loop3A_402 : vector<16xi32>
          %parallel_loop3A_404 = arith.constant 3 : i32
          %parallel_loop3A_405 = vector.broadcast %parallel_loop3A_404 : i32 to vector<16xi32>
          %parallel_loop3A_406 = arith.shrsi %parallel_loop3A_403, %parallel_loop3A_405 : vector<16xi32>
          %parallel_loop3A_407 = arith.constant 7 : i32
          %parallel_loop3A_408 = vector.broadcast %parallel_loop3A_407 : i32 to vector<16xi32>
          %parallel_loop3A_409 = arith.andi %parallel_loop3A_406, %parallel_loop3A_408 : vector<16xi32>
          %parallel_loop3A_410 = arith.sitofp %parallel_loop3A_409 : vector<16xi32> to vector<16xf32>
          %parallel_loop3A_411 = arith.constant 0 : i32
          %parallel_loop3A_412 = arith.constant 0 : i32
          %parallel_loop3A_413 = arith.constant 0 : i32
          %parallel_loop3A_414 = tpu.memref_slice %run_scoped3A_10[%rem3A_234, %parallel_loop3A_412, %parallel_loop3A_413] : memref<2x6x2048xf32, #tpu.memory_space<vmem>> -> memref<1x6x2048xf32, #tpu.memory_space<vmem>>
          %parallel_loop3A_415 = tpu.memref_squeeze %parallel_loop3A_414 : memref<1x6x2048xf32, #tpu.memory_space<vmem>> -> memref<6x2048xf32, #tpu.memory_space<vmem>>
          %parallel_loop3A_416 = arith.index_cast %parallel_loop3A_411 : i32 to index
          %parallel_loop3A_417 = arith.index_cast %parallel_loop3A_324 : i32 to index
          %parallel_loop3A_418 = tpu.vector_load %parallel_loop3A_415[%parallel_loop3A_416, %parallel_loop3A_417] {strides = array<i32>} : memref<6x2048xf32, #tpu.memory_space<vmem>>, vector<16xf32>,
          tpu.vector_store %parallel_loop3A_415[%parallel_loop3A_416, %parallel_loop3A_417], %parallel_loop3A_410 {strides = array<i32>} : memref<6x2048xf32, #tpu.memory_space<vmem>>, vector<16xf32>,
          %parallel_loop3A_419 = arith.constant 6 : i32
          %parallel_loop3A_420 = vector.broadcast %parallel_loop3A_419 : i32 to vector<16xi32>
          %parallel_loop3A_421 = arith.shrsi %parallel_loop3A_403, %parallel_loop3A_420 : vector<16xi32>
          %parallel_loop3A_422 = arith.constant 7 : i32
          %parallel_loop3A_423 = vector.broadcast %parallel_loop3A_422 : i32 to vector<16xi32>
          %parallel_loop3A_424 = arith.andi %parallel_loop3A_421, %parallel_loop3A_423 : vector<16xi32>
          %parallel_loop3A_425 = arith.sitofp %parallel_loop3A_424 : vector<16xi32> to vector<16xf32>
          %parallel_loop3A_426 = arith.constant 1 : i32
          %parallel_loop3A_427 = arith.constant 0 : i32
          %parallel_loop3A_428 = arith.constant 0 : i32
          %parallel_loop3A_429 = tpu.memref_slice %run_scoped3A_10[%rem3A_234, %parallel_loop3A_427, %parallel_loop3A_428] : memref<2x6x2048xf32, #tpu.memory_space<vmem>> -> memref<1x6x2048xf32, #tpu.memory_space<vmem>>
          %parallel_loop3A_430 = tpu.memref_squeeze %parallel_loop3A_429 : memref<1x6x2048xf32, #tpu.memory_space<vmem>> -> memref<6x2048xf32, #tpu.memory_space<vmem>>
          %parallel_loop3A_431 = arith.index_cast %parallel_loop3A_426 : i32 to index
          %parallel_loop3A_432 = arith.index_cast %parallel_loop3A_324 : i32 to index
          %parallel_loop3A_433 = tpu.vector_load %parallel_loop3A_430[%parallel_loop3A_431, %parallel_loop3A_432] {strides = array<i32>} : memref<6x2048xf32, #tpu.memory_space<vmem>>, vector<16xf32>,
          tpu.vector_store %parallel_loop3A_430[%parallel_loop3A_431, %parallel_loop3A_432], %parallel_loop3A_425 {strides = array<i32>} : memref<6x2048xf32, #tpu.memory_space<vmem>>, vector<16xf32>,
          %parallel_loop3A_434 = arith.constant 9 : i32
          %parallel_loop3A_435 = vector.broadcast %parallel_loop3A_434 : i32 to vector<16xi32>
          %parallel_loop3A_436 = arith.shrsi %parallel_loop3A_403, %parallel_loop3A_435 : vector<16xi32>
          %parallel_loop3A_437 = arith.constant 7 : i32
          %parallel_loop3A_438 = vector.broadcast %parallel_loop3A_437 : i32 to vector<16xi32>
          %parallel_loop3A_439 = arith.andi %parallel_loop3A_436, %parallel_loop3A_438 : vector<16xi32>
          %parallel_loop3A_440 = arith.sitofp %parallel_loop3A_439 : vector<16xi32> to vector<16xf32>
          %parallel_loop3A_441 = arith.constant 2 : i32
          %parallel_loop3A_442 = arith.constant 0 : i32
          %parallel_loop3A_443 = arith.constant 0 : i32
          %parallel_loop3A_444 = tpu.memref_slice %run_scoped3A_10[%rem3A_234, %parallel_loop3A_442, %parallel_loop3A_443] : memref<2x6x2048xf32, #tpu.memory_space<vmem>> -> memref<1x6x2048xf32, #tpu.memory_space<vmem>>
          %parallel_loop3A_445 = tpu.memref_squeeze %parallel_loop3A_444 : memref<1x6x2048xf32, #tpu.memory_space<vmem>> -> memref<6x2048xf32, #tpu.memory_space<vmem>>
          %parallel_loop3A_446 = arith.index_cast %parallel_loop3A_441 : i32 to index
          %parallel_loop3A_447 = arith.index_cast %parallel_loop3A_324 : i32 to index
          %parallel_loop3A_448 = tpu.vector_load %parallel_loop3A_445[%parallel_loop3A_446, %parallel_loop3A_447] {strides = array<i32>} : memref<6x2048xf32, #tpu.memory_space<vmem>>, vector<16xf32>,
          tpu.vector_store %parallel_loop3A_445[%parallel_loop3A_446, %parallel_loop3A_447], %parallel_loop3A_440 {strides = array<i32>} : memref<6x2048xf32, #tpu.memory_space<vmem>>, vector<16xf32>,
          %parallel_loop3A_449 = arith.constant 12 : i32
          %parallel_loop3A_450 = vector.broadcast %parallel_loop3A_449 : i32 to vector<16xi32>
          %parallel_loop3A_451 = arith.shrsi %parallel_loop3A_403, %parallel_loop3A_450 : vector<16xi32>
          %parallel_loop3A_452 = arith.constant 7 : i32
          %parallel_loop3A_453 = vector.broadcast %parallel_loop3A_452 : i32 to vector<16xi32>
          %parallel_loop3A_454 = arith.andi %parallel_loop3A_451, %parallel_loop3A_453 : vector<16xi32>
          %parallel_loop3A_455 = arith.sitofp %parallel_loop3A_454 : vector<16xi32> to vector<16xf32>
          %parallel_loop3A_456 = arith.constant 3 : i32
          %parallel_loop3A_457 = arith.constant 0 : i32
          %parallel_loop3A_458 = arith.constant 0 : i32
          %parallel_loop3A_459 = tpu.memref_slice %run_scoped3A_10[%rem3A_234, %parallel_loop3A_457, %parallel_loop3A_458] : memref<2x6x2048xf32, #tpu.memory_space<vmem>> -> memref<1x6x2048xf32, #tpu.memory_space<vmem>>
          %parallel_loop3A_460 = tpu.memref_squeeze %parallel_loop3A_459 : memref<1x6x2048xf32, #tpu.memory_space<vmem>> -> memref<6x2048xf32, #tpu.memory_space<vmem>>
          %parallel_loop3A_461 = arith.index_cast %parallel_loop3A_456 : i32 to index
          %parallel_loop3A_462 = arith.index_cast %parallel_loop3A_324 : i32 to index
          %parallel_loop3A_463 = tpu.vector_load %parallel_loop3A_460[%parallel_loop3A_461, %parallel_loop3A_462] {strides = array<i32>} : memref<6x2048xf32, #tpu.memory_space<vmem>>, vector<16xf32>,
          tpu.vector_store %parallel_loop3A_460[%parallel_loop3A_461, %parallel_loop3A_462], %parallel_loop3A_455 {strides = array<i32>} : memref<6x2048xf32, #tpu.memory_space<vmem>>, vector<16xf32>,
          %parallel_loop3A_464 = arith.constant 15 : i32
          %parallel_loop3A_465 = vector.broadcast %parallel_loop3A_464 : i32 to vector<16xi32>
          %parallel_loop3A_466 = arith.shrsi %parallel_loop3A_403, %parallel_loop3A_465 : vector<16xi32>
          %parallel_loop3A_467 = arith.constant 7 : i32
          %parallel_loop3A_468 = vector.broadcast %parallel_loop3A_467 : i32 to vector<16xi32>
          %parallel_loop3A_469 = arith.andi %parallel_loop3A_466, %parallel_loop3A_468 : vector<16xi32>
          %parallel_loop3A_470 = arith.sitofp %parallel_loop3A_469 : vector<16xi32> to vector<16xf32>
          %parallel_loop3A_471 = arith.constant 4 : i32
          %parallel_loop3A_472 = arith.constant 0 : i32
          %parallel_loop3A_473 = arith.constant 0 : i32
          %parallel_loop3A_474 = tpu.memref_slice %run_scoped3A_10[%rem3A_234, %parallel_loop3A_472, %parallel_loop3A_473] : memref<2x6x2048xf32, #tpu.memory_space<vmem>> -> memref<1x6x2048xf32, #tpu.memory_space<vmem>>
          %parallel_loop3A_475 = tpu.memref_squeeze %parallel_loop3A_474 : memref<1x6x2048xf32, #tpu.memory_space<vmem>> -> memref<6x2048xf32, #tpu.memory_space<vmem>>
          %parallel_loop3A_476 = arith.index_cast %parallel_loop3A_471 : i32 to index
          %parallel_loop3A_477 = arith.index_cast %parallel_loop3A_324 : i32 to index
          %parallel_loop3A_478 = tpu.vector_load %parallel_loop3A_475[%parallel_loop3A_476, %parallel_loop3A_477] {strides = array<i32>} : memref<6x2048xf32, #tpu.memory_space<vmem>>, vector<16xf32>,
          tpu.vector_store %parallel_loop3A_475[%parallel_loop3A_476, %parallel_loop3A_477], %parallel_loop3A_470 {strides = array<i32>} : memref<6x2048xf32, #tpu.memory_space<vmem>>, vector<16xf32>,
          %parallel_loop3A_479 = arith.constant 18 : i32
          %parallel_loop3A_480 = vector.broadcast %parallel_loop3A_479 : i32 to vector<16xi32>
          %parallel_loop3A_481 = arith.shrsi %parallel_loop3A_403, %parallel_loop3A_480 : vector<16xi32>
          %parallel_loop3A_482 = arith.sitofp %parallel_loop3A_481 : vector<16xi32> to vector<16xf32>
          %parallel_loop3A_483 = arith.constant 5 : i32
          %parallel_loop3A_484 = arith.constant 0 : i32
          %parallel_loop3A_485 = arith.constant 0 : i32
          %parallel_loop3A_486 = tpu.memref_slice %run_scoped3A_10[%rem3A_234, %parallel_loop3A_484, %parallel_loop3A_485] : memref<2x6x2048xf32, #tpu.memory_space<vmem>> -> memref<1x6x2048xf32, #tpu.memory_space<vmem>>
          %parallel_loop3A_487 = tpu.memref_squeeze %parallel_loop3A_486 : memref<1x6x2048xf32, #tpu.memory_space<vmem>> -> memref<6x2048xf32, #tpu.memory_space<vmem>>
          %parallel_loop3A_488 = arith.index_cast %parallel_loop3A_483 : i32 to index
          %parallel_loop3A_489 = arith.index_cast %parallel_loop3A_324 : i32 to index
          %parallel_loop3A_490 = tpu.vector_load %parallel_loop3A_487[%parallel_loop3A_488, %parallel_loop3A_489] {strides = array<i32>} : memref<6x2048xf32, #tpu.memory_space<vmem>>, vector<16xf32>,
          tpu.vector_store %parallel_loop3A_487[%parallel_loop3A_488, %parallel_loop3A_489], %parallel_loop3A_482 {strides = array<i32>} : memref<6x2048xf32, #tpu.memory_space<vmem>>, vector<16xf32>,
          %parallel_loop3A_491 = arith.minimumf %parallel_loop3A_332, %parallel_loop3A_340 : vector<16xf32>
          %parallel_loop3A_492 = arith.maximumf %parallel_loop3A_332, %parallel_loop3A_340 : vector<16xf32>
          %parallel_loop3A_493 = arith.minimumf %parallel_loop3A_356, %parallel_loop3A_364 : vector<16xf32>
          %parallel_loop3A_494 = arith.maximumf %parallel_loop3A_356, %parallel_loop3A_364 : vector<16xf32>
          %parallel_loop3A_495 = arith.minimumf %parallel_loop3A_348, %parallel_loop3A_494 : vector<16xf32>
          %parallel_loop3A_496 = arith.maximumf %parallel_loop3A_348, %parallel_loop3A_494 : vector<16xf32>
          %parallel_loop3A_497 = arith.minimumf %parallel_loop3A_495, %parallel_loop3A_493 : vector<16xf32>
          %parallel_loop3A_498 = arith.maximumf %parallel_loop3A_495, %parallel_loop3A_493 : vector<16xf32>
          %parallel_loop3A_499 = arith.minimumf %parallel_loop3A_492, %parallel_loop3A_496 : vector<16xf32>
          %parallel_loop3A_500 = arith.maximumf %parallel_loop3A_492, %parallel_loop3A_496 : vector<16xf32>
          %parallel_loop3A_501 = arith.minimumf %parallel_loop3A_491, %parallel_loop3A_498 : vector<16xf32>
          %parallel_loop3A_502 = arith.maximumf %parallel_loop3A_491, %parallel_loop3A_498 : vector<16xf32>
          %parallel_loop3A_503 = arith.minimumf %parallel_loop3A_501, %parallel_loop3A_497 : vector<16xf32>
          %parallel_loop3A_504 = arith.maximumf %parallel_loop3A_501, %parallel_loop3A_497 : vector<16xf32>
          %parallel_loop3A_505 = arith.minimumf %parallel_loop3A_499, %parallel_loop3A_502 : vector<16xf32>
          %parallel_loop3A_506 = arith.maximumf %parallel_loop3A_499, %parallel_loop3A_502 : vector<16xf32>
          %parallel_loop3A_507 = arith.minimumf %parallel_loop3A_505, %parallel_loop3A_504 : vector<16xf32>
          %parallel_loop3A_508 = arith.maximumf %parallel_loop3A_505, %parallel_loop3A_504 : vector<16xf32>
          %parallel_loop3A_509 = arith.constant 0 : i32
          %parallel_loop3A_510 = arith.constant 0 : i32
          %parallel_loop3A_511 = arith.constant 0 : i32
          %parallel_loop3A_512 = tpu.memref_slice %run_scoped3A_8[%rem3A_232, %parallel_loop3A_510, %parallel_loop3A_511] : memref<2x5x2048xf32, #tpu.memory_space<vmem>> -> memref<1x5x2048xf32, #tpu.memory_space<vmem>>
          %parallel_loop3A_513 = tpu.memref_squeeze %parallel_loop3A_512 : memref<1x5x2048xf32, #tpu.memory_space<vmem>> -> memref<5x2048xf32, #tpu.memory_space<vmem>>
          %parallel_loop3A_514 = arith.index_cast %parallel_loop3A_509 : i32 to index
          %parallel_loop3A_515 = arith.index_cast %parallel_loop3A_324 : i32 to index
          %parallel_loop3A_516 = tpu.vector_load %parallel_loop3A_513[%parallel_loop3A_514, %parallel_loop3A_515] {strides = array<i32>} : memref<5x2048xf32, #tpu.memory_space<vmem>>, vector<16xf32>,
          tpu.vector_store %parallel_loop3A_513[%parallel_loop3A_514, %parallel_loop3A_515], %parallel_loop3A_503 {strides = array<i32>} : memref<5x2048xf32, #tpu.memory_space<vmem>>, vector<16xf32>,
          %parallel_loop3A_517 = arith.constant 1 : i32
          %parallel_loop3A_518 = arith.constant 0 : i32
          %parallel_loop3A_519 = arith.constant 0 : i32
          %parallel_loop3A_520 = tpu.memref_slice %run_scoped3A_8[%rem3A_232, %parallel_loop3A_518, %parallel_loop3A_519] : memref<2x5x2048xf32, #tpu.memory_space<vmem>> -> memref<1x5x2048xf32, #tpu.memory_space<vmem>>
          %parallel_loop3A_521 = tpu.memref_squeeze %parallel_loop3A_520 : memref<1x5x2048xf32, #tpu.memory_space<vmem>> -> memref<5x2048xf32, #tpu.memory_space<vmem>>
          %parallel_loop3A_522 = arith.index_cast %parallel_loop3A_517 : i32 to index
          %parallel_loop3A_523 = arith.index_cast %parallel_loop3A_324 : i32 to index
          %parallel_loop3A_524 = tpu.vector_load %parallel_loop3A_521[%parallel_loop3A_522, %parallel_loop3A_523] {strides = array<i32>} : memref<5x2048xf32, #tpu.memory_space<vmem>>, vector<16xf32>,
          tpu.vector_store %parallel_loop3A_521[%parallel_loop3A_522, %parallel_loop3A_523], %parallel_loop3A_507 {strides = array<i32>} : memref<5x2048xf32, #tpu.memory_space<vmem>>, vector<16xf32>,
          %parallel_loop3A_525 = arith.constant 2 : i32
          %parallel_loop3A_526 = arith.constant 0 : i32
          %parallel_loop3A_527 = arith.constant 0 : i32
          %parallel_loop3A_528 = tpu.memref_slice %run_scoped3A_8[%rem3A_232, %parallel_loop3A_526, %parallel_loop3A_527] : memref<2x5x2048xf32, #tpu.memory_space<vmem>> -> memref<1x5x2048xf32, #tpu.memory_space<vmem>>
          %parallel_loop3A_529 = tpu.memref_squeeze %parallel_loop3A_528 : memref<1x5x2048xf32, #tpu.memory_space<vmem>> -> memref<5x2048xf32, #tpu.memory_space<vmem>>
          %parallel_loop3A_530 = arith.index_cast %parallel_loop3A_525 : i32 to index
          %parallel_loop3A_531 = arith.index_cast %parallel_loop3A_324 : i32 to index
          %parallel_loop3A_532 = tpu.vector_load %parallel_loop3A_529[%parallel_loop3A_530, %parallel_loop3A_531] {strides = array<i32>} : memref<5x2048xf32, #tpu.memory_space<vmem>>, vector<16xf32>,
          tpu.vector_store %parallel_loop3A_529[%parallel_loop3A_530, %parallel_loop3A_531], %parallel_loop3A_508 {strides = array<i32>} : memref<5x2048xf32, #tpu.memory_space<vmem>>, vector<16xf32>,
          %parallel_loop3A_533 = arith.constant 3 : i32
          %parallel_loop3A_534 = arith.constant 0 : i32
          %parallel_loop3A_535 = arith.constant 0 : i32
          %parallel_loop3A_536 = tpu.memref_slice %run_scoped3A_8[%rem3A_232, %parallel_loop3A_534, %parallel_loop3A_535] : memref<2x5x2048xf32, #tpu.memory_space<vmem>> -> memref<1x5x2048xf32, #tpu.memory_space<vmem>>
          %parallel_loop3A_537 = tpu.memref_squeeze %parallel_loop3A_536 : memref<1x5x2048xf32, #tpu.memory_space<vmem>> -> memref<5x2048xf32, #tpu.memory_space<vmem>>
          %parallel_loop3A_538 = arith.index_cast %parallel_loop3A_533 : i32 to index
          %parallel_loop3A_539 = arith.index_cast %parallel_loop3A_324 : i32 to index
          %parallel_loop3A_540 = tpu.vector_load %parallel_loop3A_537[%parallel_loop3A_538, %parallel_loop3A_539] {strides = array<i32>} : memref<5x2048xf32, #tpu.memory_space<vmem>>, vector<16xf32>,
          tpu.vector_store %parallel_loop3A_537[%parallel_loop3A_538, %parallel_loop3A_539], %parallel_loop3A_506 {strides = array<i32>} : memref<5x2048xf32, #tpu.memory_space<vmem>>, vector<16xf32>,
          %parallel_loop3A_541 = arith.constant 4 : i32
          %parallel_loop3A_542 = arith.constant 0 : i32
          %parallel_loop3A_543 = arith.constant 0 : i32
          %parallel_loop3A_544 = tpu.memref_slice %run_scoped3A_8[%rem3A_232, %parallel_loop3A_542, %parallel_loop3A_543] : memref<2x5x2048xf32, #tpu.memory_space<vmem>> -> memref<1x5x2048xf32, #tpu.memory_space<vmem>>
          %parallel_loop3A_545 = tpu.memref_squeeze %parallel_loop3A_544 : memref<1x5x2048xf32, #tpu.memory_space<vmem>> -> memref<5x2048xf32, #tpu.memory_space<vmem>>
          %parallel_loop3A_546 = arith.index_cast %parallel_loop3A_541 : i32 to index
          %parallel_loop3A_547 = arith.index_cast %parallel_loop3A_324 : i32 to index
          %parallel_loop3A_548 = tpu.vector_load %parallel_loop3A_545[%parallel_loop3A_546, %parallel_loop3A_547] {strides = array<i32>} : memref<5x2048xf32, #tpu.memory_space<vmem>>, vector<16xf32>,
          tpu.vector_store %parallel_loop3A_545[%parallel_loop3A_546, %parallel_loop3A_547], %parallel_loop3A_500 {strides = array<i32>} : memref<5x2048xf32, #tpu.memory_space<vmem>>, vector<16xf32>,
        } {sc.loop_unroll_factor = 8 : i64, sc.parallel_access}
        "tpu.trace_stop"() : () -> ()
        %ne3A_237 = arith.cmpi ne, %add3A_155, %add3A_173 : i32
        %or3A_238 = arith.constant false
        %or3A_239 = arith.ori %or3A_238, %ne3A_237 : i1
        %or3A_240 = arith.ori %or3A_239, %eq3A_154 : i1
        %convert_element_type3A_241 = arith.extui %or3A_240 : i1 to i32
        %cond3A_242 = arith.constant 0 : i32
        %cond3A_243 = arith.cmpi ne, %convert_element_type3A_241, %cond3A_242 : i32
        scf.if %cond3A_243 {
        } else {
        }
        %and3A_244 = arith.constant false
        %and3A_245 = arith.andi %or3A_240, %and3A_244 : i1
        %ne3A_246 = arith.cmpi ne, %add3A_155, %add3A_173 : i32
        %or3A_247 = arith.constant false
        %or3A_248 = arith.ori %or3A_247, %ne3A_246 : i1
        %or3A_249 = arith.ori %or3A_248, %eq3A_154 : i1
        %convert_element_type3A_250 = arith.extui %or3A_249 : i1 to i32
        %cond3A_251 = arith.constant 0 : i32
        %cond3A_252 = arith.cmpi ne, %convert_element_type3A_250, %cond3A_251 : i32
        scf.if %cond3A_252 {
          "tpu.trace_start"() <{level = 10 : i32, message = "ep_copy_out"}> : () -> ()
          %rem3A_324 = arith.constant 2 : i32
          %rem3A_325 = arith.remui %scan3A_146, %rem3A_324 : i32
          %mul3A_326 = arith.constant 2048 : i32
          %mul3A_327 = arith.muli %mul3A_326, %add3A_155 : i32
          %dma_start3A_328 = arith.constant 0 : i32
          %dma_start3A_329 = arith.constant 0 : i32
          %dma_start3A_330 = tpu.memref_slice %run_scoped3A_8[%rem3A_325, %dma_start3A_328, %dma_start3A_329] : memref<2x5x2048xf32, #tpu.memory_space<vmem>> -> memref<1x5x2048xf32, #tpu.memory_space<vmem>>
          %dma_start3A_331 = tpu.memref_squeeze %dma_start3A_330 : memref<1x5x2048xf32, #tpu.memory_space<vmem>> -> memref<5x2048xf32, #tpu.memory_space<vmem>>
          %dma_start3A_332 = arith.constant 0 : i32
          %dma_start3A_333 = tpu.memref_slice %arg3[%dma_start3A_332, %mul3A_327] : memref<5x1048576xf32, #tpu.memory_space<hbm>> -> memref<5x2048xf32, #tpu.memory_space<hbm>>
          %dma_start3A_334 = tpu.memref_slice %run_scoped3A_9[%rem3A_325] : memref<2x!tpu.dma_semaphore, #tpu.memory_space<semaphore_mem>> -> memref<1x!tpu.dma_semaphore, #tpu.memory_space<semaphore_mem>>
          %dma_start3A_335 = tpu.memref_squeeze %dma_start3A_334 : memref<1x!tpu.dma_semaphore, #tpu.memory_space<semaphore_mem>> -> memref<!tpu.dma_semaphore, #tpu.memory_space<semaphore_mem>>
          %dma_start3A_336 = arith.constant 0 : i32
          %dma_start3A_337 = tpu.memref_slice %arg3[%dma_start3A_336, %mul3A_327] : memref<5x1048576xf32, #tpu.memory_space<hbm>> -> memref<5x2048xf32, #tpu.memory_space<hbm>>
          %dma_start3A_338 = arith.constant 0 : i32
          %dma_start3A_339 = arith.constant 0 : i32
          %dma_start3A_340 = tpu.memref_slice %run_scoped3A_8[%rem3A_325, %dma_start3A_338, %dma_start3A_339] : memref<2x5x2048xf32, #tpu.memory_space<vmem>> -> memref<1x5x2048xf32, #tpu.memory_space<vmem>>
          %dma_start3A_341 = tpu.memref_squeeze %dma_start3A_340 : memref<1x5x2048xf32, #tpu.memory_space<vmem>> -> memref<5x2048xf32, #tpu.memory_space<vmem>>
          tpu.enqueue_dma source(%dma_start3A_341 : memref<5x2048xf32, #tpu.memory_space<vmem>>) target(%dma_start3A_337 : memref<5x2048xf32, #tpu.memory_space<hbm>>) target_semaphore(%dma_start3A_335 : memref<!tpu.dma_semaphore, #tpu.memory_space<semaphore_mem>>)
          "tpu.trace_stop"() : () -> ()
        } else {
        }
        %and3A_253 = arith.constant true
        %and3A_254 = arith.andi %or3A_249, %and3A_253 : i1
        %add3A_255 = arith.constant 1 : i32
        %add3A_256 = arith.addi %scan3A_146, %add3A_255 : i32
        %select_n3A_257 = arith.select %and3A_254, %add3A_256, %scan3A_146 : i32
        %ne3A_258 = arith.cmpi ne, %add3A_155, %add3A_173 : i32
        %or3A_259 = arith.constant false
        %or3A_260 = arith.ori %or3A_259, %ne3A_258 : i1
        %or3A_261 = arith.ori %or3A_260, %eq3A_154 : i1
        %convert_element_type3A_262 = arith.extui %or3A_261 : i1 to i32
        %cond3A_263 = arith.constant 0 : i32
        %cond3A_264 = arith.cmpi ne, %convert_element_type3A_262, %cond3A_263 : i32
        scf.if %cond3A_264 {
          "tpu.trace_start"() <{level = 10 : i32, message = "ep_copy_out"}> : () -> ()
          %rem3A_324 = arith.constant 2 : i32
          %rem3A_325 = arith.remui %scan3A_148, %rem3A_324 : i32
          %mul3A_326 = arith.constant 2048 : i32
          %mul3A_327 = arith.muli %mul3A_326, %add3A_155 : i32
          %dma_start3A_328 = arith.constant 0 : i32
          %dma_start3A_329 = arith.constant 0 : i32
          %dma_start3A_330 = tpu.memref_slice %run_scoped3A_10[%rem3A_325, %dma_start3A_328, %dma_start3A_329] : memref<2x6x2048xf32, #tpu.memory_space<vmem>> -> memref<1x6x2048xf32, #tpu.memory_space<vmem>>
          %dma_start3A_331 = tpu.memref_squeeze %dma_start3A_330 : memref<1x6x2048xf32, #tpu.memory_space<vmem>> -> memref<6x2048xf32, #tpu.memory_space<vmem>>
          %dma_start3A_332 = arith.constant 0 : i32
          %dma_start3A_333 = tpu.memref_slice %arg4[%dma_start3A_332, %mul3A_327] : memref<6x1048576xf32, #tpu.memory_space<hbm>> -> memref<6x2048xf32, #tpu.memory_space<hbm>>
          %dma_start3A_334 = tpu.memref_slice %run_scoped3A_11[%rem3A_325] : memref<2x!tpu.dma_semaphore, #tpu.memory_space<semaphore_mem>> -> memref<1x!tpu.dma_semaphore, #tpu.memory_space<semaphore_mem>>
          %dma_start3A_335 = tpu.memref_squeeze %dma_start3A_334 : memref<1x!tpu.dma_semaphore, #tpu.memory_space<semaphore_mem>> -> memref<!tpu.dma_semaphore, #tpu.memory_space<semaphore_mem>>
          %dma_start3A_336 = arith.constant 0 : i32
          %dma_start3A_337 = tpu.memref_slice %arg4[%dma_start3A_336, %mul3A_327] : memref<6x1048576xf32, #tpu.memory_space<hbm>> -> memref<6x2048xf32, #tpu.memory_space<hbm>>
          %dma_start3A_338 = arith.constant 0 : i32
          %dma_start3A_339 = arith.constant 0 : i32
          %dma_start3A_340 = tpu.memref_slice %run_scoped3A_10[%rem3A_325, %dma_start3A_338, %dma_start3A_339] : memref<2x6x2048xf32, #tpu.memory_space<vmem>> -> memref<1x6x2048xf32, #tpu.memory_space<vmem>>
          %dma_start3A_341 = tpu.memref_squeeze %dma_start3A_340 : memref<1x6x2048xf32, #tpu.memory_space<vmem>> -> memref<6x2048xf32, #tpu.memory_space<vmem>>
          tpu.enqueue_dma source(%dma_start3A_341 : memref<6x2048xf32, #tpu.memory_space<vmem>>) target(%dma_start3A_337 : memref<6x2048xf32, #tpu.memory_space<hbm>>) target_semaphore(%dma_start3A_335 : memref<!tpu.dma_semaphore, #tpu.memory_space<semaphore_mem>>)
          "tpu.trace_stop"() : () -> ()
        } else {
        }
        %and3A_265 = arith.constant true
        %and3A_266 = arith.andi %or3A_261, %and3A_265 : i1
        %add3A_267 = arith.constant 1 : i32
        %add3A_268 = arith.addi %scan3A_148, %add3A_267 : i32
        %select_n3A_269 = arith.select %and3A_266, %add3A_268, %scan3A_148 : i32
        %ne3A_270 = arith.cmpi ne, %add3A_155, %add3A_164 : i32
        %or3A_271 = arith.constant false
        %or3A_272 = arith.ori %or3A_271, %ne3A_270 : i1
        %not3A_273 = arith.constant true
        %not3A_274 = arith.xori %eq3A_152, %not3A_273 : i1
        %and3A_275 = arith.andi %or3A_272, %not3A_274 : i1
        %convert_element_type3A_276 = arith.extui %and3A_275 : i1 to i32
        %cond3A_277 = arith.constant 0 : i32
        %cond3A_278 = arith.cmpi ne, %convert_element_type3A_276, %cond3A_277 : i32
        scf.if %cond3A_278 {
        } else {
        }
        %and3A_279 = arith.constant false
        %and3A_280 = arith.andi %and3A_275, %and3A_279 : i1
        %ne3A_281 = arith.cmpi ne, %add3A_155, %add3A_164 : i32
        %or3A_282 = arith.constant false
        %or3A_283 = arith.ori %or3A_282, %ne3A_281 : i1
        %not3A_284 = arith.constant true
        %not3A_285 = arith.xori %eq3A_152, %not3A_284 : i1
        %and3A_286 = arith.andi %or3A_283, %not3A_285 : i1
        %convert_element_type3A_287 = arith.extui %and3A_286 : i1 to i32
        %cond3A_288 = arith.constant 0 : i32
        %cond3A_289 = arith.cmpi ne, %convert_element_type3A_287, %cond3A_288 : i32
        scf.if %cond3A_289 {
          "tpu.trace_start"() <{level = 10 : i32, message = "ep_wait_out"}> : () -> ()
          %rem3A_324 = arith.constant 2 : i32
          %rem3A_325 = arith.remui %scan3A_147, %rem3A_324 : i32
          %mul3A_326 = arith.constant 2048 : i32
          %mul3A_327 = arith.muli %mul3A_326, %add3A_164 : i32
          %dma_wait3A_328 = arith.constant 0 : i32
          %dma_wait3A_329 = arith.constant 0 : i32
          %dma_wait3A_330 = tpu.memref_slice %run_scoped3A_8[%rem3A_325, %dma_wait3A_328, %dma_wait3A_329] : memref<2x5x2048xf32, #tpu.memory_space<vmem>> -> memref<1x5x2048xf32, #tpu.memory_space<vmem>>
          %dma_wait3A_331 = tpu.memref_squeeze %dma_wait3A_330 : memref<1x5x2048xf32, #tpu.memory_space<vmem>> -> memref<5x2048xf32, #tpu.memory_space<vmem>>
          %dma_wait3A_332 = arith.constant 0 : i32
          %dma_wait3A_333 = tpu.memref_slice %arg3[%dma_wait3A_332, %mul3A_327] : memref<5x1048576xf32, #tpu.memory_space<hbm>> -> memref<5x2048xf32, #tpu.memory_space<hbm>>
          %dma_wait3A_334 = tpu.memref_slice %run_scoped3A_9[%rem3A_325] : memref<2x!tpu.dma_semaphore, #tpu.memory_space<semaphore_mem>> -> memref<1x!tpu.dma_semaphore, #tpu.memory_space<semaphore_mem>>
          %dma_wait3A_335 = tpu.memref_squeeze %dma_wait3A_334 : memref<1x!tpu.dma_semaphore, #tpu.memory_space<semaphore_mem>> -> memref<!tpu.dma_semaphore, #tpu.memory_space<semaphore_mem>>
          %dma_wait3A_336 = arith.constant 0 : i32
          %dma_wait3A_337 = tpu.memref_slice %arg3[%dma_wait3A_336, %mul3A_327] : memref<5x1048576xf32, #tpu.memory_space<hbm>> -> memref<5x2048xf32, #tpu.memory_space<hbm>>
          %dma_wait3A_338 = arith.constant 0 : i32
          %dma_wait3A_339 = arith.constant 0 : i32
          %dma_wait3A_340 = tpu.memref_slice %run_scoped3A_8[%rem3A_325, %dma_wait3A_338, %dma_wait3A_339] : memref<2x5x2048xf32, #tpu.memory_space<vmem>> -> memref<1x5x2048xf32, #tpu.memory_space<vmem>>
          %dma_wait3A_341 = tpu.memref_squeeze %dma_wait3A_340 : memref<1x5x2048xf32, #tpu.memory_space<vmem>> -> memref<5x2048xf32, #tpu.memory_space<vmem>>
          tpu.wait_dma2 semaphore(%dma_wait3A_335 : memref<!tpu.dma_semaphore, #tpu.memory_space<semaphore_mem>>) src(%dma_wait3A_341 : memref<5x2048xf32, #tpu.memory_space<vmem>>) dst(%dma_wait3A_337 : memref<5x2048xf32, #tpu.memory_space<hbm>>)
          "tpu.trace_stop"() : () -> ()
        } else {
        }
        %and3A_290 = arith.constant true
        %and3A_291 = arith.andi %and3A_286, %and3A_290 : i1
        %add3A_292 = arith.constant 1 : i32
        %add3A_293 = arith.addi %scan3A_147, %add3A_292 : i32
        %select_n3A_294 = arith.select %and3A_291, %add3A_293, %scan3A_147 : i32
        %ne3A_295 = arith.cmpi ne, %add3A_155, %add3A_164 : i32
        %or3A_296 = arith.constant false
        %or3A_297 = arith.ori %or3A_296, %ne3A_295 : i1
        %not3A_298 = arith.constant true
        %not3A_299 = arith.xori %eq3A_152, %not3A_298 : i1
        %and3A_300 = arith.andi %or3A_297, %not3A_299 : i1
        %convert_element_type3A_301 = arith.extui %and3A_300 : i1 to i32
        %cond3A_302 = arith.constant 0 : i32
        %cond3A_303 = arith.cmpi ne, %convert_element_type3A_301, %cond3A_302 : i32
        scf.if %cond3A_303 {
          "tpu.trace_start"() <{level = 10 : i32, message = "ep_wait_out"}> : () -> ()
          %rem3A_324 = arith.constant 2 : i32
          %rem3A_325 = arith.remui %scan3A_149, %rem3A_324 : i32
          %mul3A_326 = arith.constant 2048 : i32
          %mul3A_327 = arith.muli %mul3A_326, %add3A_164 : i32
          %dma_wait3A_328 = arith.constant 0 : i32
          %dma_wait3A_329 = arith.constant 0 : i32
          %dma_wait3A_330 = tpu.memref_slice %run_scoped3A_10[%rem3A_325, %dma_wait3A_328, %dma_wait3A_329] : memref<2x6x2048xf32, #tpu.memory_space<vmem>> -> memref<1x6x2048xf32, #tpu.memory_space<vmem>>
          %dma_wait3A_331 = tpu.memref_squeeze %dma_wait3A_330 : memref<1x6x2048xf32, #tpu.memory_space<vmem>> -> memref<6x2048xf32, #tpu.memory_space<vmem>>
          %dma_wait3A_332 = arith.constant 0 : i32
          %dma_wait3A_333 = tpu.memref_slice %arg4[%dma_wait3A_332, %mul3A_327] : memref<6x1048576xf32, #tpu.memory_space<hbm>> -> memref<6x2048xf32, #tpu.memory_space<hbm>>
          %dma_wait3A_334 = tpu.memref_slice %run_scoped3A_11[%rem3A_325] : memref<2x!tpu.dma_semaphore, #tpu.memory_space<semaphore_mem>> -> memref<1x!tpu.dma_semaphore, #tpu.memory_space<semaphore_mem>>
          %dma_wait3A_335 = tpu.memref_squeeze %dma_wait3A_334 : memref<1x!tpu.dma_semaphore, #tpu.memory_space<semaphore_mem>> -> memref<!tpu.dma_semaphore, #tpu.memory_space<semaphore_mem>>
          %dma_wait3A_336 = arith.constant 0 : i32
          %dma_wait3A_337 = tpu.memref_slice %arg4[%dma_wait3A_336, %mul3A_327] : memref<6x1048576xf32, #tpu.memory_space<hbm>> -> memref<6x2048xf32, #tpu.memory_space<hbm>>
          %dma_wait3A_338 = arith.constant 0 : i32
          %dma_wait3A_339 = arith.constant 0 : i32
          %dma_wait3A_340 = tpu.memref_slice %run_scoped3A_10[%rem3A_325, %dma_wait3A_338, %dma_wait3A_339] : memref<2x6x2048xf32, #tpu.memory_space<vmem>> -> memref<1x6x2048xf32, #tpu.memory_space<vmem>>
          %dma_wait3A_341 = tpu.memref_squeeze %dma_wait3A_340 : memref<1x6x2048xf32, #tpu.memory_space<vmem>> -> memref<6x2048xf32, #tpu.memory_space<vmem>>
          tpu.wait_dma2 semaphore(%dma_wait3A_335 : memref<!tpu.dma_semaphore, #tpu.memory_space<semaphore_mem>>) src(%dma_wait3A_341 : memref<6x2048xf32, #tpu.memory_space<vmem>>) dst(%dma_wait3A_337 : memref<6x2048xf32, #tpu.memory_space<hbm>>)
          "tpu.trace_stop"() : () -> ()
        } else {
        }
        %and3A_304 = arith.constant true
        %and3A_305 = arith.andi %and3A_300, %and3A_304 : i1
        %add3A_306 = arith.constant 1 : i32
        %add3A_307 = arith.addi %scan3A_149, %add3A_306 : i32
        %select_n3A_308 = arith.select %and3A_305, %add3A_307, %scan3A_149 : i32
        %ne3A_309 = arith.cmpi ne, %add3A_155, %add3A_173 : i32
        %or3A_310 = arith.constant false
        %or3A_311 = arith.ori %or3A_310, %ne3A_309 : i1
        %or3A_312 = arith.ori %or3A_311, %eq3A_154 : i1
        %add3A_313 = arith.constant 1 : i32
        %add3A_314 = arith.addi %scan3A_145, %add3A_313 : i32
        %select_n3A_315 = arith.select %or3A_312, %add3A_314, %scan3A_145 : i32
        %add3A_316 = arith.constant 1 : i32
        %add3A_317 = arith.addi %scan3A_150, %add3A_316 : i32
        %select_n3A_318 = arith.constant true
        %select_n3A_319 = arith.select %select_n3A_318, %add3A_317, %scan3A_150 : i32
        %eq3A_320 = arith.constant 16 : i32
        %eq3A_321 = arith.cmpi eq, %select_n3A_319, %eq3A_320 : i32
        %select_n3A_322 = arith.constant 0 : i32
        %select_n3A_323 = arith.select %eq3A_321, %select_n3A_322, %select_n3A_319 : i32
        scf.yield %select_n3A_191, %select_n3A_315, %select_n3A_257, %select_n3A_294, %select_n3A_269, %select_n3A_308, %select_n3A_323 : i32, i32, i32, i32, i32, i32, i32
      }
      %scan3A_72 = arith.constant 16 : i32
      %sub3A = arith.constant 1 : i32
      %sub3A_73 = arith.subi %scan3A_71#6, %sub3A : i32
      %select_n3A_74 = arith.constant true
      %select_n3A_75 = arith.select %select_n3A_74, %sub3A_73, %scan3A_71#6 : i32
      %eq3A_76 = arith.constant -1 : i32
      %eq3A_77 = arith.cmpi eq, %select_n3A_75, %eq3A_76 : i32
      %select_n3A_78 = arith.constant 15 : i32
      %select_n3A_79 = arith.select %eq3A_77, %select_n3A_78, %select_n3A_75 : i32
      %add3A_80 = arith.addi %select_n3A_79, %mul3A_6 : i32
      %sub3A_81 = arith.constant 1 : i32
      %sub3A_82 = arith.subi %select_n3A_79, %sub3A_81 : i32
      %select_n3A_83 = arith.constant true
      %select_n3A_84 = arith.select %select_n3A_83, %sub3A_82, %select_n3A_79 : i32
      %eq3A_85 = arith.constant -1 : i32
      %eq3A_86 = arith.cmpi eq, %select_n3A_84, %eq3A_85 : i32
      %select_n3A_87 = arith.constant 15 : i32
      %select_n3A_88 = arith.select %eq3A_86, %select_n3A_87, %select_n3A_84 : i32
      %add3A_89 = arith.addi %select_n3A_88, %mul3A_6 : i32
      %add3A_90 = arith.constant 1 : i32
      %add3A_91 = arith.addi %select_n3A_79, %add3A_90 : i32
      %select_n3A_92 = arith.constant true
      %select_n3A_93 = arith.select %select_n3A_92, %add3A_91, %select_n3A_79 : i32
      %eq3A_94 = arith.constant 16 : i32
      %eq3A_95 = arith.cmpi eq, %select_n3A_93, %eq3A_94 : i32
      %select_n3A_96 = arith.constant 0 : i32
      %select_n3A_97 = arith.select %eq3A_95, %select_n3A_96, %select_n3A_93 : i32
      %add3A_98 = arith.addi %select_n3A_97, %mul3A_6 : i32
      %add3A_99 = arith.constant 1 : i32
      %add3A_100 = arith.addi %select_n3A_97, %add3A_99 : i32
      %select_n3A_101 = arith.constant true
      %select_n3A_102 = arith.select %select_n3A_101, %add3A_100, %select_n3A_97 : i32
      %eq3A_103 = arith.constant 16 : i32
      %eq3A_104 = arith.cmpi eq, %select_n3A_102, %eq3A_103 : i32
      %select_n3A_105 = arith.constant 0 : i32
      %select_n3A_106 = arith.select %eq3A_104, %select_n3A_105, %select_n3A_102 : i32
      %add3A_107 = arith.addi %select_n3A_106, %mul3A_6 : i32
      "tpu.trace_start"() <{level = 10 : i32, message = "ep_finalize"}> : () -> ()
      %rem3A_108 = arith.constant 2 : i32
      %rem3A_109 = arith.remui %scan3A_71#3, %rem3A_108 : i32
      %mul3A_110 = arith.constant 2048 : i32
      %mul3A_111 = arith.muli %mul3A_110, %add3A_80 : i32
      %dma_wait3A = arith.constant 0 : i32
      %dma_wait3A_112 = arith.constant 0 : i32
      %dma_wait3A_113 = tpu.memref_slice %run_scoped3A_8[%rem3A_109, %dma_wait3A, %dma_wait3A_112] : memref<2x5x2048xf32, #tpu.memory_space<vmem>> -> memref<1x5x2048xf32, #tpu.memory_space<vmem>>
      %dma_wait3A_114 = tpu.memref_squeeze %dma_wait3A_113 : memref<1x5x2048xf32, #tpu.memory_space<vmem>> -> memref<5x2048xf32, #tpu.memory_space<vmem>>
      %dma_wait3A_115 = arith.constant 0 : i32
      %dma_wait3A_116 = tpu.memref_slice %arg3[%dma_wait3A_115, %mul3A_111] : memref<5x1048576xf32, #tpu.memory_space<hbm>> -> memref<5x2048xf32, #tpu.memory_space<hbm>>
      %dma_wait3A_117 = tpu.memref_slice %run_scoped3A_9[%rem3A_109] : memref<2x!tpu.dma_semaphore, #tpu.memory_space<semaphore_mem>> -> memref<1x!tpu.dma_semaphore, #tpu.memory_space<semaphore_mem>>
      %dma_wait3A_118 = tpu.memref_squeeze %dma_wait3A_117 : memref<1x!tpu.dma_semaphore, #tpu.memory_space<semaphore_mem>> -> memref<!tpu.dma_semaphore, #tpu.memory_space<semaphore_mem>>
      %dma_wait3A_119 = arith.constant 0 : i32
      %dma_wait3A_120 = tpu.memref_slice %arg3[%dma_wait3A_119, %mul3A_111] : memref<5x1048576xf32, #tpu.memory_space<hbm>> -> memref<5x2048xf32, #tpu.memory_space<hbm>>
      %dma_wait3A_121 = arith.constant 0 : i32
      %dma_wait3A_122 = arith.constant 0 : i32
      %dma_wait3A_123 = tpu.memref_slice %run_scoped3A_8[%rem3A_109, %dma_wait3A_121, %dma_wait3A_122] : memref<2x5x2048xf32, #tpu.memory_space<vmem>> -> memref<1x5x2048xf32, #tpu.memory_space<vmem>>
      %dma_wait3A_124 = tpu.memref_squeeze %dma_wait3A_123 : memref<1x5x2048xf32, #tpu.memory_space<vmem>> -> memref<5x2048xf32, #tpu.memory_space<vmem>>
      tpu.wait_dma2 semaphore(%dma_wait3A_118 : memref<!tpu.dma_semaphore, #tpu.memory_space<semaphore_mem>>) src(%dma_wait3A_124 : memref<5x2048xf32, #tpu.memory_space<vmem>>) dst(%dma_wait3A_120 : memref<5x2048xf32, #tpu.memory_space<hbm>>)
      %rem3A_125 = arith.constant 2 : i32
      %rem3A_126 = arith.remui %scan3A_71#5, %rem3A_125 : i32
      %mul3A_127 = arith.constant 2048 : i32
      %mul3A_128 = arith.muli %mul3A_127, %add3A_80 : i32
      %dma_wait3A_129 = arith.constant 0 : i32
      %dma_wait3A_130 = arith.constant 0 : i32
      %dma_wait3A_131 = tpu.memref_slice %run_scoped3A_10[%rem3A_126, %dma_wait3A_129, %dma_wait3A_130] : memref<2x6x2048xf32, #tpu.memory_space<vmem>> -> memref<1x6x2048xf32, #tpu.memory_space<vmem>>
      %dma_wait3A_132 = tpu.memref_squeeze %dma_wait3A_131 : memref<1x6x2048xf32, #tpu.memory_space<vmem>> -> memref<6x2048xf32, #tpu.memory_space<vmem>>
      %dma_wait3A_133 = arith.constant 0 : i32
      %dma_wait3A_134 = tpu.memref_slice %arg4[%dma_wait3A_133, %mul3A_128] : memref<6x1048576xf32, #tpu.memory_space<hbm>> -> memref<6x2048xf32, #tpu.memory_space<hbm>>
      %dma_wait3A_135 = tpu.memref_slice %run_scoped3A_11[%rem3A_126] : memref<2x!tpu.dma_semaphore, #tpu.memory_space<semaphore_mem>> -> memref<1x!tpu.dma_semaphore, #tpu.memory_space<semaphore_mem>>
      %dma_wait3A_136 = tpu.memref_squeeze %dma_wait3A_135 : memref<1x!tpu.dma_semaphore, #tpu.memory_space<semaphore_mem>> -> memref<!tpu.dma_semaphore, #tpu.memory_space<semaphore_mem>>
      %dma_wait3A_137 = arith.constant 0 : i32
      %dma_wait3A_138 = tpu.memref_slice %arg4[%dma_wait3A_137, %mul3A_128] : memref<6x1048576xf32, #tpu.memory_space<hbm>> -> memref<6x2048xf32, #tpu.memory_space<hbm>>
      %dma_wait3A_139 = arith.constant 0 : i32
      %dma_wait3A_140 = arith.constant 0 : i32
      %dma_wait3A_141 = tpu.memref_slice %run_scoped3A_10[%rem3A_126, %dma_wait3A_139, %dma_wait3A_140] : memref<2x6x2048xf32, #tpu.memory_space<vmem>> -> memref<1x6x2048xf32, #tpu.memory_space<vmem>>
      %dma_wait3A_142 = tpu.memref_squeeze %dma_wait3A_141 : memref<1x6x2048xf32, #tpu.memory_space<vmem>> -> memref<6x2048xf32, #tpu.memory_space<vmem>>
      tpu.wait_dma2 semaphore(%dma_wait3A_136 : memref<!tpu.dma_semaphore, #tpu.memory_space<semaphore_mem>>) src(%dma_wait3A_142 : memref<6x2048xf32, #tpu.memory_space<vmem>>) dst(%dma_wait3A_138 : memref<6x2048xf32, #tpu.memory_space<hbm>>)
      "tpu.trace_stop"() : () -> ()
      tpu.yield
    }) : () -> ()
    return
  }
}

</mosaic_0001>

<sc_bundles>
// kernel: kernel.3.cloned.1.call-start
scs
__scs_entry_jumppad:
0x0: {  	(pc) =	sbr.rel $0x88, $3  }
0x1: {  	(tag) =	ssettag $0x0;
	lr =	simm.s32 $0x1  }
0x2: {  	[smem:$0x3FA0] =	sst lr;
	_ =	strace $0xD0000000  }
0x3: {  	_ = 	snop  }
0x4: {  	_ = 	snop  }
0x5: {  	_ = 	snop  }
0x6: {  	_ = 	snop  }
0x7: {  	_ = 	snop  }
__scs_overlays_trampoline_lowered:
0x8: {  	[smem:$0x3FAF] =	sst s0  }
0x9: {  	[smem:$0x3FB0] =	sst s1  }
0xa: {  	[smem:$0x3FB1] =	sst s2  }
0xb: {  	[smem:$0x3FB2] =	sst s3  }
0xc: {  	[smem:$0x3FB3] =	sst s4  }
0xd: {  	[smem:$0x3FB4] =	sst s5  }
0xe: {  	[smem:$0x3FB5] =	sst s6  }
0xf: {  	[smem:$0x3FB6] =	sst s7  }
0x10: {  	[smem:$0x3FB7] =	sst s8  }
0x11: {  	[smem:$0x3FB8] =	sst s9;
	s0 =	simm.s32 @!p0 $0x0  }
0x12: {  	s1 =	sld [smem:$0x3F9E];
	s0 =	simm.s32 @p0 $0x1  }
0x13: {  	[smem:$0x3FB9] =	sst s0;
	s0 =	simm.s32 @!p1 $0x0  }
0x14: {  	s2 =	sld [smem:$0x3F9D];
	s0 =	simm.s32 @p1 $0x1  }
0x15: {  	[smem:$0x3FBA] =	sst s0;
	s0 =	simm.s32 @!p2 $0x0  }
0x16: {  	s3 =	sld [smem:$0x3FDB];
	s0 =	simm.s32 @p2 $0x1  }
0x17: {  	s4 =	simm.s32 $0x1BF5;
	[smem:$0x3FBC] =	sst s0  }
0x18: {  	s0 =	sld [smem:$0x3F9F];
	_ =	swait.ge [sflag:s4], $0x0  }
0x19: {  	s7 =	sld [smem:$0x3FA0]  }
0x1a: {  	s8 =	sadd.s32 $0xFFFFE003, lr  }
0x1b: {  	s9 =	sadd.s32 $0xFFFFFEF7, lr;
	s5 =	simm.s32 $0xFFFFFFFF;
	p2 =	slt.u32 s8, $0xFFFFF086  }
0x1c: {  	p1 =	slt.u32 s9, $0xF7A;
	s5 =	simm.s32 @!p2 $0x0  }
0x1d: {  	s5 =	simm.s32 @p1 $0x1;
	p0 =	seq.s32 s7, s2  }
0x1e: {  	s7 =	smul.u32 @!p0 $0xF7A, s2;
	p2 =	seq.s32 @!p0 s5, $0x0  }
0x1f: {  	s9 =	smul.u32 $0xF7A, s1;
	s8 =	simm.s32 @!p0 $0x1BF5;
	p2 =	por !p2, p0  }
0x20: {  	[sflag:s8] =	ssyncset.s32 @!p0 $0xFFFFF086;
	s6 =	sadd.s32 @!p0 s3, s7;
	s7 =	simm.s32 @!p0 $0x108  }
0x21: {  	s3 =	sadd.s32 s3, s9;
	s6 =	sadd.s32 @!p0 $0x88, s6;
	s7 =	simm.s32 @p2 $0x1082  }
0x22: {  	[simem:s7], [sflag:s8] =	dma.local @!p0 [hbm:s6], $0xF7A  }
0x23: {  	s9 =	sor.u32 $0xD0000000, s2;
	s6 =	simm.s32 $0x108;
	_ =	swait.ge @!p0 [sflag:s8], $0x0  }
0x24: {  	s3 =	sadd.s32 $0x88, s3;
	s6 =	simm.s32 @!p1 $0x1082;
	[sflag:s4] =	ssyncset.s32 $0xFFFFF086  }
0x25: {  	[simem:s6], [sflag:s4] =	dma.local [hbm:s3], $0xF7A  }
0x26: {  	[smem:$0x3FA0] =	sst s1;
	(tag) =	ssettag s2;
	_ =	strace s9  }
0x27: {  	s1 =	sld [smem:$0x3FB0]  }
0x28: {  	s2 =	sld [smem:$0x3FB1]  }
0x29: {  	s4 =	sld [smem:$0x3FB3]  }
0x2a: {  	p0 =	seq.s32 s5, $0x0;
	s5 =	sld [smem:$0x3FB4]  }
0x2b: {  	s6 =	sld [smem:$0x3FB5]  }
0x2c: {  	s7 =	sld [smem:$0x3FB6]  }
0x2d: {  	s3 =	simm.s32 $0x108;
	s8 =	sld [smem:$0x3FB7]  }
0x2e: {  	s3 =	simm.s32 @!p0 $0x1082;
	s9 =	sld [smem:$0x3FB8]  }
0x2f: {  	lr =	sadd.s32 s0, s3;
	s0 =	sld [smem:$0x3FAF]  }
0x30: {  	s3 =	sld [smem:$0x3FB2]  }
0x31: {  	[smem:$0x3FBB] =	sst s10  }
0x32: {  	s10 =	sld [smem:$0x3FB9];
	_ =	sdelay $0x3  }
0x33: {  	p0 =	seq.s32 s10, $0x1;
	s10 =	sld [smem:$0x3FBB];
	_ =	sdelay $0x3  }
0x34: {  	[smem:$0x3FBB] =	sst s10  }
0x35: {  	s10 =	sld [smem:$0x3FBA];
	_ =	sdelay $0x3  }
0x36: {  	p1 =	seq.s32 s10, $0x1;
	s10 =	sld [smem:$0x3FBB];
	_ =	sdelay $0x3  }
0x37: {  	[smem:$0x3FBB] =	sst s10  }
0x38: {  	s10 =	sld [smem:$0x3FBC]  }
0x39: {  	_ = 	snop;
	(pc) =	sbr.ind lr, $3  }
0x3a: {  	_ = 	snop  }
0x3b: {  	_ = 	snop  }
0x3c: {  	p2 =	seq.s32 s10, $0x1;
	s10 =	sld [smem:$0x3FBB]  }
0x3d: {  	_ =	shalt  }
0x3e: {  	_ =	shalt  }
0x3f: {  	_ =	shalt  }
0x40: {  	_ =	shalt  }
0x41: {  	_ =	shalt  }
0x42: {  	_ =	shalt  }
0x43: {  	_ =	shalt  }
0x44: {  	_ =	shalt  }
0x45: {  	_ =	shalt  }
0x46: {  	_ =	shalt  }
0x47: {  	_ =	shalt  }
0x48: {  	_ =	shalt  }
0x49: {  	_ =	shalt  }
0x4a: {  	_ =	shalt  }
0x4b: {  	_ =	shalt  }
0x4c: {  	_ =	shalt  }
0x4d: {  	_ =	shalt  }
0x4e: {  	_ =	shalt  }
0x4f: {  	_ =	shalt  }
0x50: {  	_ =	shalt  }
0x51: {  	_ =	shalt  }
0x52: {  	_ =	shalt  }
0x53: {  	_ =	shalt  }
0x54: {  	_ =	shalt  }
0x55: {  	_ =	shalt  }
0x56: {  	_ =	shalt  }
0x57: {  	_ =	shalt  }
0x58: {  	_ =	shalt  }
0x59: {  	_ =	shalt  }
0x5a: {  	_ =	shalt  }
0x5b: {  	_ =	shalt  }
0x5c: {  	_ =	shalt  }
0x5d: {  	_ =	shalt  }
0x5e: {  	_ =	shalt  }
0x5f: {  	_ =	shalt  }
0x60: {  	_ =	shalt  }
0x61: {  	_ =	shalt  }
0x62: {  	_ =	shalt  }
0x63: {  	_ =	shalt  }
0x64: {  	_ =	shalt  }
0x65: {  	_ =	shalt  }
0x66: {  	_ =	shalt  }
0x67: {  	_ =	shalt  }
0x68: {  	_ =	shalt  }
0x69: {  	_ =	shalt  }
0x6a: {  	_ =	shalt  }
0x6b: {  	_ =	shalt  }
0x6c: {  	_ =	shalt  }
0x6d: {  	_ =	shalt  }
0x6e: {  	_ =	shalt  }
0x6f: {  	_ =	shalt  }
0x70: {  	_ =	shalt  }
0x71: {  	_ =	shalt  }
0x72: {  	_ =	shalt  }
0x73: {  	_ =	shalt  }
0x74: {  	_ =	shalt  }
0x75: {  	_ =	shalt  }
0x76: {  	_ =	shalt  }
0x77: {  	_ =	shalt  }
0x78: {  	_ =	shalt  }
0x79: {  	_ =	shalt  }
0x7a: {  	_ =	shalt  }
0x7b: {  	_ =	shalt  }
0x7c: {  	_ =	shalt  }
0x7d: {  	_ =	shalt  }
0x7e: {  	_ =	shalt  }
0x7f: {  	_ =	shalt  }
0x80: {  	_ =	shalt  }
0x81: {  	_ =	shalt  }
0x82: {  	_ =	shalt  }
0x83: {  	_ =	shalt  }
0x84: {  	_ =	shalt  }
0x85: {  	_ =	shalt  }
0x86: {  	_ =	shalt  }
0x87: {  	_ =	shalt  }
.Lfunc_end0:
.L_simem_size_0:
called_computation_lowered:
.L_overlay_start_0:
0x88: {  	s2 =	sld [smem:$0x3FD9]  }
0x89: {  	s3 =	sld [smem:$0x3FFE];
	_ =	sdelay $0x1  }
0x8a: {  	s1 =	srdreg.scid  }
0x8b: {  	s0 =	sand.u32 $0x1, s1  }
0x8c: {  	s15 =	sshll.u32 s0, $0xA;
	s2 =	sadd.s32 s3, s2  }
0x8d: {  	s2 =	sadd.s32 s2, s15  }
0x8e: {  	[smem:$0x3FC7] =	sst s2  }
0x8f: {  	_ = 	snop  }
0x90: {  	s2 =	sld [smem:$0x3FD0];
	_ =	sdelay $0x2  }
0x91: {  	s4 =	simm.s32 $0xA;
	s5 =	simm.s32 $0x10;
	s16 =	sld [smem:$0x3FC9]  }
0x92: {  	[smem:s5], [sflag:s4] =	dma.local [hbm:s2], $0x1  }
0x93: {  	_ =	swait.eq [sflag:s4], $0x1  }
0x94: {  	[sflag:s4] =	ssyncset.done $0x0  }
0x95: {  	s17 =	sld [smem:$0x10];
	[sflag:s4] =	ssyncadd.s32 $0xFFFFFFFF  }
0x96: {  	s18 =	sld [smem:$0x11];
	(tm) =	ssettm $0x1  }
0x97: {  	s19 =	sld [smem:$0x3FFB];
	_ =	sdelay $0x3  }
0x98: {  	_ =	strace s19  }
0x99: {  	s5 =	sld [smem:$0x3FFC];
	_ =	sdelay $0x3  }
0x9a: {  	_ =	strace s5  }
0x9b: {  	s5 =	sld [smem:$0x3FFD];
	_ =	sdelay $0x3  }
0x9c: {  	_ =	strace s5  }
0x9d: {  	_ =	strace $0x8FFFFFFF  }
0x9e: {  	s20 =	sld [smem:$0x3FDB];
	_ =	sdelay $0x1  }
0x9f: {  	s6 =	simm.s32 $_scs_section_size  }
0xa0: {  	s7 =	simm.s32 $_size__tile_overlayer_lowered;
	s8 =	simm.s32 $_tile_overlayer_lowered  }
0xa1: {  	s23 =	simm.s32 $0x1BFF;
	s22 =	sshll.u32 s8, $0x1;
	s5 =	sadd.s32 s6, s20  }
0xa2: {  	s9 =	simm.s32 $0x0;
	s21 =	sshll.u32 s7, $0x1;
	s7 =	sadd.s32 s22, s5  }
0xa3: {  	[timem:s9], [sflag:s23] =	dma.local [hbm:s7], s21  }
0xa4: {  	_ =	swait.ge [sflag:s23], s21  }
0xa5: {  	s6 =	ssub.s32 $0x0, s21;
	[sflag:s23] =	ssyncset.done $0x0  }
0xa6: {  	[sflag:s23] =	ssyncadd.s32 s6;
	_ =	sdelay $0x1  }
0xa7: {  	s24 =	simm.s32 $0x1B8B  }
0xa8: {  	_ =	swait.ge [sflag:s24], $0x1  }
0xa9: {  	[sflag:s24] =	ssyncset.done $0x0  }
0xaa: {  	s25 =	simm.s32 $0x1B8E;
	[sflag:s24] =	ssyncadd.s32 $0xFFFFFFFF  }
0xab: {  	s26 =	simm.s32 $execute0_lowered;
	[smem:$0x3FD2] =	sst s25  }
0xac: {  	s6 =	sshll.u32 s26, $0x1;
	_ =	strace $0x80000046;
	[dreg:$0x1] =	wrdreg $0xFFFFFFFF  }
0xad: {  	s28 =	simm.s32 $_size_execute0_lowered;
	s5 =	sadd.s32 s5, s6;
	[dreg:$0x0] =	wrdreg $0x0  }
0xae: {  	s6 =	sshll.u32 s28, $0x1;
	[dreg:$0x2] =	wrdreg s5  }
0xaf: {  	[dreg:$0x3] =	wrdreg s6  }
0xb0: {  	[dreg:$0x4] =	wrdreg $0xC0  }
0xb1: {  	_ =	task [dreg:s9], $0x5FFFF  }
0xb2: {  	[dreg:$0x1] =	wrdreg $0xFFFFFFFF  }
0xb3: {  	[dreg:$0x0] =	wrdreg $0x60  }
0xb4: {  	[dreg:$0x2] =	wrdreg s16  }
0xb5: {  	[dreg:$0x3] =	wrdreg s17  }
0xb6: {  	[dreg:$0x4] =	wrdreg s18  }
0xb7: {  	[dreg:$0x5] =	wrdreg $0x9  }
0xb8: {  	_ =	task.clear_ibuf [dreg:s9], $0x6FFFF;
	_ =	strace $0x90000046  }
0xb9: {  	s29 =	simm.s32 $0x9;
	_ =	strace $0x80000051  }
0xba: {  	_ =	swait.ge [sflag:s29], $0x1  }
0xbb: {  	[sflag:s29] =	ssyncadd.s32 $0xFFFFFFFF  }
0xbc: {  	_ =	strace $0x90000051  }
0xbd: {  	_ =	sfence  }
0xbe: {  	s30 =	sld [smem:$0x0];
	_ =	sdelay $0x2  }
0xbf: {  	s31 =	sshll.u32 s1, $0xD;
	s1 =	sshrl.u32 s1, $0x2  }
0xc0: {  	s3 =	sand.u32 $0x4000, s31;
	s1 =	sadd.s32 s1, s30  }
0xc1: {  	s0 =	sor.u32 s3, s0;
	s1 =	sshll.u32 s1, $0x11  }
0xc2: {  	s0 =	sor.u32 s1, s0  }
0xc3: {  	s0 =	sadd.s32 $0x8F2B, s0  }
0xc4: {  	[sflag:s0] =	ssyncadd.remote.s32 $0x1  }
0xc5: {  	_ =	sfence.sel $0xFFFF  }
0xc6: {  	[dreg:$0x0] =	wrdreg $0xFFFFFFFF;
	(pc) =	sbr.abs _section_cstart, $3  }
0xc7: {  	[dreg:$0x1] =	wrdreg $0xFFFFFFFF  }
0xc8: {  	_ =	task.clear_ibuf [dreg:s9], $0x2FFFF;
	_ =	strace $0x9FFFFFFF  }
0xc9: {  	(tm) =	ssettm $0x7FFFFFFF  }
tec
execute0_lowered:
.L_overlay_start_1:
0x0: {  	(tag) =	ssettag $0x1  }
0x1: {  	s1 =	rddreg [dreg:$0x0]  }
0x2: {  	s2 =	rddreg [dreg:$0x1]  }
0x3: {  	s3 =	rddreg [dreg:$0x2]  }
0x4: {  	s0 =	rddreg [dreg:$0x3];
	s5 =	simm.s32 $0x0;
	s4 =	srdreg.scid  }
0x5: {  	[smem:$0x7FF] =	sst s5;
	s6 =	sand.u32 $0x1, s4  }
0x6: {  	s4 =	stileid.u32;
	s7 =	ssub.s32 $0x2, s6;
	s6 =	sshll.u32 s6, $0x4  }
0x7: {  	_ =	strace $0x80000047;
	s8 =	sshrl.u32 s7, $0x1;
	s9 =	sor.u32 s4, s6  }
0x8: {  	s8 =	ssub.s32 s7, s8;
	s6 =	sshll.u32 s9, $0x4;
	s31 =	sshll.u32 s9, $0xF  }
0x9: {  	v0 =	vimm.s32 $0x1;
	s9 =	simm.s32 $0x0;
	s7 =	sadd.s32 s1, s31;
	s8 =	smax.u32 s8, $0x1  }
.LBB2_1:
0xa: {  	_ =	strace $0x80000048  }
0xb: {  	s11 =	simm.s32 $0x0;
	s10 =	simm.s32 $0x0;
	s12 =	simm.s32 $0x0  }
0xc: {  	s25 =	simm.s32 $0x0;
	s13 =	simm.s32 $0x0;
	s14 =	simm.s32 $0x0  }
0xd: {  	[tilespmem:s5], [sflag:$0x1] =	stream.linear.gather [hbm4b:s7+s5], $0x4000, $0x200038;
	[tilespmem:$0x18000] =	vst v63  }
0xe: {  	s15 =	simm.s32 $0x1;
	s16 =	simm.s32 $0x0;
	_ =	strace $0x90000048  }
.LBB2_2:
0xf: {  	s18 =	smov.u32 s11;
	s11 =	sadd.s32 $0x1, s11  }
0x10: {  	p0 =	seq.s32 s11, $0x10  }
0x11: {  	s11 =	simm.s32 @p0 $0x0  }
0x12: {  	p1 =	sne.s32 s16, $0xF;
	p0 =	sne.s32 s18, s11  }
0x13: {  	p0 =	por !p1, !p0  }
0x14: {  	p0 =	por !p0, !p0  }
0x15: {  	s17 =	sadd.s32 @p0 s6, s11  }
0x16: {  	s30 =	sand.u32 $0x1, s14;
	_ =	strace @p0 $0x80000049;
	s17 =	sshll.u32 @p0 s17, $0xB  }
0x17: {  	s19 =	sand.u32 @p0 $0x1, s15;
	s21 =	simm.s32 @p0 $0x0;
	s17 =	sand.u32 @p0 $0x1FFFF800, s17  }
0x18: {  	s20 =	sshll.u32 @p0 s19, $0xE;
	s19 =	sadd.s32 @p0 $0x1, s19;
	s17 =	sadd.s32 @p0 s1, s17  }
0x19: {  	[tilespmem:s20], [sflag:s19] =	stream.linear.gather @p0 [hbm4b:s17+s21], $0x4000, $0x200038;
	[tilespmem:$0x18000] =	vst v63  }
0x1a: {  	s22 =	sand.u32 $0x1, s13;
	s31 =	sadd.s32 $0x1, s30;
	_ =	strace @p0 $0x90000049  }
0x1b: {  	s26 =	sshll.u32 s22, $0xE;
	s28 =	sshll.u32 s30, $0xE;
	_ =	strace $0x8000004A  }
0x1c: {  	s23 =	sor.u32 $0x8000, s26;
	s26 =	sor.u32 $0x8140, s26;
	_ =	swait.ge [sflag:s31], $0x4000  }
0x1d: {  	s21 =	sadd.s32 s6, s18;
	s19 =	sand.u32 $0x1, s12;
	[sflag:s31] =	ssyncset.done $0x0  }
0x1e: {  	s17 =	smov.u32 s25;
	s25 =	sor.u32 $0x140, s28;
	[sflag:s31] =	ssyncadd.s32 $0xFFFFC000  }
0x1f: {  	s28 =	simm.s32 $0xFFFFFF80;
	s24 =	sshll.u32 s19, $0xE;
	_ =	strace $0x9000004A  }
0x20: {  	s20 =	sor.u32 $0x10000, s24;
	s24 =	sor.u32 $0x10180, s24;
	_ =	strace $0x8000004B  }
.LBB2_3:
0x21: {  	v1 =	vld [tilespmem:s25+$0xFFFFFEC0]  }
0x22: {  	v8 =	vld [tilespmem:s25+$0xFFFFFF40]  }
0x23: {  	v9 =	vld [tilespmem:s25+$0xFFFFFFC0]  }
0x24: {  	v10 =	vld [tilespmem:s25+$0x40]  }
0x25: {  	v11 =	vld [tilespmem:s25+$0xC0]  }
0x26: {  	v17 =	vld [tilespmem:s25+$0xFFFFFED0]  }
0x27: {  	v19 =	vld [tilespmem:s25+$0xFFFFFF50]  }
0x28: {  	v21 =	vld [tilespmem:s25+$0xFFFFFFD0]  }
0x29: {  	v22 =	vld [tilespmem:s25+$0x50]  }
0x2a: {  	v2 =	vtrunc.f32 v1  }
0x2b: {  	v23 =	vld [tilespmem:s25+$0xD0];
	v3 =	vtrunc.f32 v8;
	v4 =	vtrunc.f32 v9  }
0x2c: {  	v5 =	vtrunc.f32 v10;
	v6 =	vtrunc.f32 v11;
	v12 =	vmax.f32 v10, v11  }
0x2d: {  	v13 =	vmin.f32 v1, v8;
	v18 =	vtrunc.f32 v17;
	v24 =	vtrunc.f32 v19  }
0x2e: {  	v10 =	vmin.f32 v10, v11;
	v15 =	vtrunc.f32 v21;
	v16 =	vtrunc.f32 v22  }
0x2f: {  	v1 =	vmax.f32 v1, v8;
	v2 =	vcvt.f32.s32 v2;
	v3 =	vcvt.f32.s32 v3  }
0x30: {  	v42 =	vmax.f32 v22, v23;
	v4 =	vcvt.f32.s32 v4;
	v5 =	vcvt.f32.s32 v5  }
0x31: {  	v6 =	vcvt.f32.s32 v6;
	v60 =	vmin.f32 v9, v12;
	v20 =	vcvt.f32.s32 v18  }
0x32: {  	v61 =	vmax.f32 v9, v12;
	v12 =	vcvt.f32.s32 v24;
	v15 =	vcvt.f32.s32 v15  }
0x33: {  	v43 =	vmin.f32 v22, v23;
	v16 =	vcvt.f32.s32 v16;
	v18 =	vtrunc.f32 v23  }
0x34: {  	v24 =	vmin.f32 v17, v19;
	v17 =	vmax.f32 v17, v19;
	v44 =	vmin.f32 v21, v42  }
0x35: {  	v62 =	vmin.f32 v60, v10;
	v10 =	vmax.f32 v60, v10;
	v63 =	vmin.f32 v1, v61  }
0x36: {  	v1 =	vmax.f32 v1, v61;
	v26 =	vcvt.f32.s32 v18;
	v45 =	vmin.f32 v44, v43  }
0x37: {  	v19 =	vmax.f32 v44, v43;
	v2 =	vmul.u32 $0x3, v2;
	v3 =	vmul.u32 $0x3, v3  }
0x38: {  	v4 =	vmul.u32 $0x3, v4;
	v5 =	vmul.u32 $0x3, v5;
	v55 =	vmul.u32 $0x3, v6  }
0x39: {  	v14 =	vmin.f32 v13, v10;
	v8 =	vmul.u32 $0x3, v20;
	v12 =	vmul.u32 $0x3, v12  }
0x3a: {  	v10 =	vmax.f32 v13, v10;
	v25 =	vmul.u32 $0x3, v15;
	v27 =	vmul.u32 $0x3, v16  }
0x3b: {  	v52 =	vmin.f32 v24, v19;
	v19 =	vmax.f32 v24, v19;
	v29 =	vmul.u32 $0x3, v26  }
0x3c: {  	v16 =	vmin.f32 v14, v62;
	v9 =	vmax.f32 v14, v62;
	v32 =	vmin.f32 v63, v10  }
0x3d: {  	v14 =	vmax.f32 v63, v10;
	v2 =	vshll.u32 v0, v2;
	v3 =	vshll.u32 v0, v3  }
0x3e: {  	v8 =	vshll.u32 v0, v8;
	v12 =	vshll.u32 v0, v12;
	v28 =	vshll.u32 v0, v25  }
0x3f: {  	v30 =	vshll.u32 v0, v27;
	v20 =	vmin.f32 v32, v9;
	v18 =	vmax.f32 v32, v9  }
0x40: {  	v2 =	vadd.s32 v2, v3;
	v3 =	vshll.u32 v0, v4;
	v8 =	vadd.s32 v8, v12  }
0x41: {  	v31 =	vshll.u32 v0, v29;
	v2 =	vadd.s32 v3, v2;
	v3 =	vshll.u32 v0, v5  }
0x42: {  	v8 =	vadd.s32 v28, v8;
	v2 =	vadd.s32 v3, v2;
	v3 =	vshll.u32 v0, v55  }
0x43: {  	v32 =	vld [tilespmem:s25+$0x60];
	v8 =	vadd.s32 v30, v8;
	v55 =	vmax.f32 v52, v45;
	v2 =	vadd.s32 v3, v2  }
0x44: {  	v8 =	vadd.s32 v31, v8;
	v3 =	vshrl.u32 v2, $0x3;
	v56 =	vshrl.u32 v2, $0x6  }
0x45: {  	v57 =	vshrl.u32 v2, $0x9;
	v58 =	vshrl.u32 v2, $0xC;
	v59 =	vshrl.u32 v2, $0xF  }
0x46: {  	v29 =	vld [tilespmem:s25+$0xFFFFFEE0];
	v2 =	vshra.s32 v2, $0x12;
	v33 =	vshrl.u32 v8, $0x3;
	v34 =	vshrl.u32 v8, $0x6  }
0x47: {  	v37 =	vshrl.u32 v8, $0x9;
	v38 =	vshrl.u32 v8, $0xC;
	v39 =	vshrl.u32 v8, $0xF  }
0x48: {  	v8 =	vshra.s32 v8, $0x12;
	v27 =	vtrunc.f32 v32;
	v3 =	vand.u32 $0x7, v3  }
0x49: {  	v4 =	vand.u32 $0x7, v58;
	v5 =	vand.u32 $0x7, v59;
	v2 =	vcvt.s32.f32 v2  }
0x4a: {  	v35 =	vand.u32 $0x7, v33;
	v36 =	vand.u32 $0x7, v34;
	v8 =	vcvt.s32.f32 v8  }
0x4b: {  	v9 =	vand.u32 $0x7, v37;
	v46 =	vtrunc.f32 v29;
	v27 =	vcvt.f32.s32 v27  }
0x4c: {  	v30 =	vld [tilespmem:s25+$0xFFFFFF60];
	v40 =	vand.u32 $0x7, v38;
	v7 =	vcvt.s32.f32 v3;
	v4 =	vcvt.s32.f32 v4  }
0x4d: {  	v41 =	vand.u32 $0x7, v39;
	v5 =	vcvt.s32.f32 v5;
	v15 =	vcvt.s32.f32 v35  }
0x4e: {  	v31 =	vld [tilespmem:s25+$0xFFFFFFE0];
	v3 =	vand.u32 $0x7, v56;
	v11 =	vcvt.s32.f32 v36;
	v12 =	vcvt.s32.f32 v9  }
0x4f: {  	v13 =	vcvt.s32.f32 v40;
	v10 =	vcvt.s32.f32 v41;
	v9 =	vmax.f32 v21, v42  }
0x50: {  	v47 =	vcvt.f32.s32 v46;
	v6 =	vcvt.s32.f32 v3;
	v3 =	vand.u32 $0x7, v57  }
0x51: {  	v34 =	vld [tilespmem:s25+$0xE0];
	v48 =	vtrunc.f32 v30;
	v25 =	vmin.f32 v17, v9;
	v9 =	vmax.f32 v17, v9  }
0x52: {  	v39 =	vld [tilespmem:s25+$0xFFFFFFF0];
	v27 =	vmul.u32 $0x3, v27;
	v63 =	vmin.f32 v29, v30;
	v3 =	vcvt.s32.f32 v3  }
0x53: {  	v44 =	vmax.f32 v29, v30;
	v23 =	vcvt.f32.s32 v48;
	v26 =	vtrunc.f32 v31  }
0x54: {  	v40 =	vld [tilespmem:s25+$0x70];
	v22 =	vmul.u32 $0x3, v47;
	v33 =	vmin.f32 v25, v19;
	v26 =	vcvt.f32.s32 v26  }
0x55: {  	v41 =	vld [tilespmem:s25+$0xF0];
	v53 =	vshll.u32 v0, v27;
	v27 =	vmin.f32 v52, v45;
	v23 =	vmul.u32 $0x3, v23  }
0x56: {  	v28 =	vtrunc.f32 v34;
	v22 =	vshll.u32 v0, v22;
	v45 =	vmax.f32 v32, v34  }
0x57: {  	v46 =	vmin.f32 v32, v34;
	v52 =	vtrunc.f32 v39;
	v49 =	vmul.u32 $0x3, v26  }
0x58: {  	v37 =	vld [tilespmem:s25+$0xFFFFFEF0];
	v50 =	vcvt.f32.s32 v28;
	v26 =	vmax.f32 v25, v19;
	v28 =	vmin.f32 v33, v55  }
0x59: {  	v38 =	vld [tilespmem:s25+$0xFFFFFF70];
	v33 =	vmax.f32 v33, v55;
	v47 =	vmin.f32 v31, v45;
	v34 =	vcvt.f32.s32 v52  }
0x5a: {  	v29 =	vmax.f32 v31, v45;
	v42 =	vtrunc.f32 v40;
	v43 =	vtrunc.f32 v41  }
0x5b: {  	v23 =	vshll.u32 v0, v23;
	v48 =	vmin.f32 v47, v46;
	v30 =	vmax.f32 v47, v46  }
0x5c: {  	v36 =	vmin.f32 v44, v29;
	v42 =	vcvt.f32.s32 v42;
	v43 =	vcvt.f32.s32 v43  }
0x5d: {  	v22 =	vadd.s32 v22, v23;
	v17 =	vshll.u32 v0, v49;
	v51 =	vmul.u32 $0x3, v50  }
0x5e: {  	v49 =	vtrunc.f32 v37;
	v50 =	vtrunc.f32 v38;
	v34 =	vmul.u32 $0x3, v34  }
0x5f: {  	v17 =	vadd.s32 v17, v22;
	v32 =	vcvt.f32.s32 v49;
	v42 =	vmul.u32 $0x3, v42  }
0x60: {  	v43 =	vmul.u32 $0x3, v43;
	v17 =	vadd.s32 v53, v17;
	v54 =	vshll.u32 v0, v51  }
0x61: {  	v51 =	vcvt.f32.s32 v50;
	v53 =	vshll.u32 v0, v34;
	v17 =	vadd.s32 v54, v17  }
0x62: {  	v32 =	vmul.u32 $0x3, v32;
	v54 =	vshll.u32 v0, v42;
	v55 =	vshll.u32 v0, v43  }
0x63: {  	v56 =	vshrl.u32 v17, $0x3;
	v57 =	vshrl.u32 v17, $0x6;
	v59 =	vshrl.u32 v17, $0x9  }
0x64: {  	[tilespmem:s24+$0x110] =	vst v8;
	v22 =	vshrl.u32 v17, $0xC;
	v35 =	vshrl.u32 v17, $0xF;
	v17 =	vshra.s32 v17, $0x12  }
0x65: {  	[tilespmem:s24+$0xFFFFFE80] =	vst v7;
	v19 =	vand.u32 $0x7, v56;
	v58 =	vand.u32 $0x7, v57;
	v60 =	vand.u32 $0x7, v59  }
0x66: {  	[tilespmem:s24+$0xFFFFFE90] =	vst v15;
	v45 =	vld [tilespmem:s25+$0xFFFFFF00];
	v61 =	vand.u32 $0x7, v22;
	v25 =	vcvt.s32.f32 v19;
	v23 =	vcvt.s32.f32 v58  }
0x67: {  	[tilespmem:s24+$0xFFFFFF10] =	vst v11;
	v62 =	vand.u32 $0x7, v35;
	v21 =	vcvt.s32.f32 v60;
	v22 =	vcvt.s32.f32 v61  }
0x68: {  	[tilespmem:s24+$0xFFFFFF90] =	vst v12;
	v32 =	vshll.u32 v0, v32;
	v24 =	vcvt.s32.f32 v62;
	v19 =	vcvt.s32.f32 v17  }
0x69: {  	[tilespmem:s24+$0x10] =	vst v13;
	v46 =	vld [tilespmem:s25+$0xFFFFFF80];
	v17 =	vmax.f32 v44, v29;
	v29 =	vmul.u32 $0x3, v51;
	v44 =	vmin.f32 v63, v30  }
0x6a: {  	[tilespmem:s24+$0x90] =	vst v10;
	v30 =	vmax.f32 v63, v30;
	v60 =	vmin.f32 v37, v38;
	v37 =	vmax.f32 v37, v38  }
0x6b: {  	[tilespmem:s24+$0xFFFFFF00] =	vst v6;
	v61 =	vmax.f32 v40, v41;
	v40 =	vmin.f32 v40, v41;
	v51 =	vtrunc.f32 v45  }
0x6c: {  	[tilespmem:s26+$0xFFFFFF50] =	vst v28;
	v34 =	vmin.f32 v44, v48;
	v31 =	vmax.f32 v44, v48;
	v56 =	vmin.f32 v36, v30  }
0x6d: {  	v62 =	vmin.f32 v39, v61;
	v38 =	vmax.f32 v39, v61;
	v41 =	vcvt.f32.s32 v51;
	[tilespmem:s24+$0xFFFFFEA0] =	vst v25  }
0x6e: {  	v28 =	vld [tilespmem:s25+$0xFFFFFFA0];
	v48 =	vtrunc.f32 v46;
	v29 =	vshll.u32 v0, v29;
	v35 =	vmin.f32 v56, v31;
	[tilespmem:s24+$0xFFFFFF20] =	vst v23  }
0x6f: {  	v63 =	vmin.f32 v62, v40;
	v40 =	vmax.f32 v62, v40;
	v7 =	vmin.f32 v37, v38;
	[tilespmem:s24+$0xFFFFFFA0] =	vst v21  }
0x70: {  	v6 =	vmax.f32 v37, v38;
	v48 =	vcvt.f32.s32 v48;
	[tilespmem:s24+$0x20] =	vst v22;
	v29 =	vadd.s32 v32, v29  }
0x71: {  	[tilespmem:s24+$0xA0] =	vst v24;
	v32 =	vmax.f32 v36, v30;
	v36 =	vmax.f32 v56, v31;
	v29 =	vadd.s32 v53, v29  }
0x72: {  	[tilespmem:s24+$0x120] =	vst v19;
	v52 =	vmin.f32 v60, v40;
	v40 =	vmax.f32 v60, v40;
	v29 =	vadd.s32 v54, v29  }
0x73: {  	v41 =	vmul.u32 $0x3, v41;
	[tilespmem:s26+$0xFFFFFEE0] =	vst v34;
	v34 =	vtrunc.f32 v28;
	v43 =	vadd.s32 v55, v29  }
0x74: {  	[tilespmem:s24+$0xFFFFFF80] =	vst v3;
	v38 =	vld [tilespmem:s25+$0x100];
	v3 =	vmin.f32 v52, v63;
	v29 =	vshrl.u32 v43, $0x3;
	v58 =	vshrl.u32 v43, $0x9  }
0x75: {  	v47 =	vld [tilespmem:s25+$0x80];
	v54 =	vmul.u32 $0x3, v48;
	v29 =	vand.u32 $0x7, v29;
	v44 =	vand.u32 $0x7, v58  }
0x76: {  	[tilespmem:s24+$0x100] =	vst v2;
	v48 =	vmin.f32 v7, v40;
	v30 =	vcvt.s32.f32 v29;
	v29 =	vcvt.s32.f32 v44;
	v44 =	vld [tilespmem:s25+$0x0]  }
0x77: {  	[tilespmem:s24+$0x0] =	vst v4;
	v7 =	vmax.f32 v7, v40;
	v55 =	vmax.f32 v52, v63;
	v52 =	vmin.f32 v45, v46  }
0x78: {  	[tilespmem:s24+$0x80] =	vst v5;
	v57 =	vshrl.u32 v43, $0x6;
	v56 =	vshrl.u32 v43, $0xC;
	v2 =	vshll.u32 v0, v54  }
0x79: {  	[tilespmem:s26+$0xC0] =	vst v1;
	v61 =	vtrunc.f32 v38;
	v1 =	vshra.s32 v43, $0x12;
	v59 =	vand.u32 $0x7, v57  }
0x7a: {  	v12 =	vmin.f32 v48, v55;
	v5 =	vmax.f32 v48, v55;
	v31 =	vcvt.s32.f32 v59  }
0x7b: {  	v54 =	vmin.f32 v47, v38;
	v59 =	vtrunc.f32 v47;
	v53 =	vtrunc.f32 v44  }
0x7c: {  	v13 =	vld [tilespmem:s25+$0xFFFFFF10];
	v57 =	vshll.u32 v0, v41;
	v60 =	vcvt.f32.s32 v59;
	v42 =	vcvt.f32.s32 v53  }
0x7d: {  	[tilespmem:s26+$0xFFFFFEC0] =	vst v16;
	v62 =	vand.u32 $0x7, v56;
	v63 =	vcvt.f32.s32 v61;
	v41 =	vshrl.u32 v43, $0xF  }
0x7e: {  	[tilespmem:s26+$0x40] =	vst v14;
	v15 =	vcvt.s32.f32 v1;
	v16 =	vmul.u32 $0x3, v60;
	v58 =	vmul.u32 $0x3, v42  }
0x7f: {  	v2 =	vadd.s32 v57, v2;
	v14 =	vcvt.s32.f32 v62;
	[tilespmem:s24+$0xFFFFFF30] =	vst v31;
	v31 =	vcvt.f32.s32 v34  }
0x80: {  	v16 =	vshll.u32 v0, v16;
	v42 =	vmul.u32 $0x3, v63;
	v4 =	vshll.u32 v0, v58  }
0x81: {  	v60 =	vld [tilespmem:s25+$0x90];
	v58 =	vtrunc.f32 v13;
	v2 =	vadd.s32 v4, v2;
	v4 =	vand.u32 $0x7, v41  }
0x82: {  	[tilespmem:s26+$0xFFFFFF40] =	vst v20;
	v63 =	vld [tilespmem:s25+$0x110];
	v20 =	vcvt.f32.s32 v58;
	v1 =	vadd.s32 v16, v2;
	v2 =	vshll.u32 v0, v42  }
0x83: {  	v53 =	vmax.f32 v45, v46;
	v4 =	vcvt.s32.f32 v4;
	v16 =	vld [tilespmem:s25+$0xFFFFFF90];
	v2 =	vadd.s32 v2, v1  }
0x84: {  	v20 =	vmul.u32 $0x3, v20;
	v1 =	vshrl.u32 v2, $0x3;
	v49 =	vshrl.u32 v2, $0x6  }
0x85: {  	v42 =	vshrl.u32 v2, $0xC;
	v1 =	vand.u32 $0x7, v1;
	v50 =	vand.u32 $0x7, v49  }
0x86: {  	v20 =	vshll.u32 v0, v20;
	v10 =	vcvt.s32.f32 v1;
	v1 =	vshrl.u32 v2, $0x9  }
0x87: {  	v49 =	vtrunc.f32 v63;
	v11 =	vcvt.s32.f32 v50;
	v51 =	vand.u32 $0x7, v1  }
0x88: {  	v1 =	vmax.f32 v47, v38;
	v61 =	vtrunc.f32 v16;
	v47 =	vtrunc.f32 v60  }
0x89: {  	v58 =	vmin.f32 v13, v16;
	v13 =	vmax.f32 v13, v16;
	v55 =	vmin.f32 v44, v1  }
0x8a: {  	[tilespmem:s26+$0xD0] =	vst v9;
	v1 =	vmax.f32 v44, v1;
	v39 =	vcvt.f32.s32 v61;
	v8 =	vcvt.s32.f32 v51  }
0x8b: {  	[tilespmem:s26+$0xFFFFFED0] =	vst v27;
	v44 =	vand.u32 $0x7, v42;
	v48 =	vcvt.f32.s32 v47;
	v56 =	vmin.f32 v55, v54  }
0x8c: {  	[tilespmem:s26+$0xFFFFFFC0] =	vst v18;
	v27 =	vmax.f32 v55, v54;
	v57 =	vmin.f32 v53, v1;
	v1 =	vmax.f32 v53, v1  }
0x8d: {  	[tilespmem:s26+$0xFFFFFFD0] =	vst v33;
	v25 =	vld [tilespmem:s25+$0xFFFFFF20];
	v50 =	vcvt.s32.f32 v44;
	v53 =	vshrl.u32 v2, $0xF;
	v2 =	vshra.s32 v2, $0x12  }
0x8e: {  	[tilespmem:s26+$0x50] =	vst v26;
	v38 =	vld [tilespmem:s25+$0x10];
	v59 =	vmin.f32 v52, v27;
	v62 =	vmax.f32 v52, v27;
	v43 =	vmul.u32 $0x3, v39  }
0x8f: {  	v33 =	vld [tilespmem:s25+$0xA0];
	[tilespmem:s26+$0xFFFFFF60] =	vst v35;
	v52 =	vcvt.f32.s32 v49;
	v22 =	vmul.u32 $0x3, v48;
	v21 =	vand.u32 $0x7, v53  }
0x90: {  	[tilespmem:s24+$0xFFFFFFB0] =	vst v29;
	v29 =	vld [tilespmem:s25+$0x20];
	v2 =	vcvt.s32.f32 v2;
	v18 =	vmin.f32 v59, v56;
	v40 =	vmax.f32 v59, v56  }
0x91: {  	[tilespmem:s26+$0xFFFFFFE0] =	vst v36;
	v36 =	vld [tilespmem:s25+$0x120];
	v21 =	vcvt.s32.f32 v21;
	v54 =	vmin.f32 v57, v62;
	v9 =	vmax.f32 v57, v62  }
0x92: {  	[tilespmem:s24+$0x130] =	vst v15;
	v59 =	vmax.f32 v60, v63;
	v60 =	vmin.f32 v60, v63;
	v63 =	vtrunc.f32 v25  }
0x93: {  	[tilespmem:s24+$0xFFFFFEB0] =	vst v30;
	v41 =	vtrunc.f32 v38;
	v45 =	vshll.u32 v0, v43;
	v23 =	vmul.u32 $0x3, v52  }
0x94: {  	[tilespmem:s24+$0x30] =	vst v14;
	v22 =	vshll.u32 v0, v22;
	v55 =	vmin.f32 v54, v40;
	v61 =	vmin.f32 v38, v59  }
0x95: {  	v15 =	vld [tilespmem:s25+$0xFFFFFF30];
	[tilespmem:s24+$0xB0] =	vst v4;
	v16 =	vmax.f32 v38, v59;
	v27 =	vcvt.f32.s32 v63;
	v38 =	vtrunc.f32 v29  }
0x96: {  	[tilespmem:s26+$0xFFFFFEF0] =	vst v3;
	v43 =	vtrunc.f32 v33;
	v59 =	vmin.f32 v33, v36;
	v26 =	vcvt.f32.s32 v41  }
0x97: {  	[tilespmem:s26+$0xFFFFFF70] =	vst v12;
	v20 =	vadd.s32 v20, v45;
	v62 =	vmin.f32 v61, v60;
	v4 =	vmax.f32 v61, v60  }
0x98: {  	[tilespmem:s26+$0xFFFFFFF0] =	vst v5;
	v3 =	vmin.f32 v13, v16;
	v12 =	vmax.f32 v13, v16;
	v14 =	vcvt.f32.s32 v38  }
0x99: {  	[tilespmem:s24+$0xFFFFFEC0] =	vst v10;
	v44 =	vcvt.f32.s32 v43;
	v45 =	vtrunc.f32 v36;
	v16 =	vmax.f32 v33, v36  }
0x9a: {  	[tilespmem:s24+$0xFFFFFF40] =	vst v11;
	v61 =	vtrunc.f32 v15;
	v23 =	vshll.u32 v0, v23;
	v35 =	vmin.f32 v58, v4  }
0x9b: {  	[tilespmem:s24+$0xFFFFFFC0] =	vst v8;
	v4 =	vmax.f32 v58, v4;
	v37 =	vmul.u32 $0x3, v27;
	v11 =	vcvt.f32.s32 v45  }
0x9c: {  	[tilespmem:s24+$0x40] =	vst v50;
	v63 =	vld [tilespmem:s25+$0xB0];
	v58 =	vmax.f32 v25, v28;
	v60 =	vmin.f32 v29, v16;
	v16 =	vmax.f32 v29, v16  }
0x9d: {  	[tilespmem:s24+$0xC0] =	vst v21;
	v21 =	vcvt.f32.s32 v61;
	v46 =	vmul.u32 $0x3, v26;
	v14 =	vmul.u32 $0x3, v14  }
0x9e: {  	[tilespmem:s24+$0x140] =	vst v2;
	v10 =	vmul.u32 $0x3, v44;
	v50 =	vmin.f32 v35, v62;
	v13 =	vmax.f32 v35, v62  }
0x9f: {  	[tilespmem:s26+$0xFFFFFF00] =	vst v18;
	v18 =	vld [tilespmem:s25+$0x30];
	v62 =	vmin.f32 v60, v59;
	v27 =	vmax.f32 v58, v16;
	v5 =	vshll.u32 v0, v37  }
0xa0: {  	v11 =	vmul.u32 $0x3, v11;
	v51 =	vshll.u32 v0, v46;
	v46 =	vshll.u32 v0, v14  }
0xa1: {  	v10 =	vshll.u32 v0, v10;
	v36 =	vtrunc.f32 v63;
	v20 =	vadd.s32 v51, v20  }
0xa2: {  	v11 =	vshll.u32 v0, v11;
	v51 =	vmin.f32 v3, v4;
	v3 =	vmax.f32 v3, v4  }
0xa3: {  	[tilespmem:s26+$0xE0] =	vst v17;
	v37 =	vcvt.f32.s32 v36;
	v20 =	vadd.s32 v22, v20;
	v22 =	vmax.f32 v54, v40  }
0xa4: {  	[tilespmem:s26+$0x60] =	vst v32;
	v40 =	vmul.u32 $0x3, v31;
	v52 =	vmin.f32 v51, v13;
	v29 =	vtrunc.f32 v18  }
0xa5: {  	[tilespmem:s26+$0x70] =	vst v7;
	v53 =	vmax.f32 v51, v13;
	v20 =	vadd.s32 v23, v20;
	v19 =	vcvt.f32.s32 v29  }
0xa6: {  	[tilespmem:s26+$0x80] =	vst v9;
	v9 =	vmul.u32 $0x3, v37;
	v23 =	vshrl.u32 v20, $0x3;
	v56 =	vshrl.u32 v20, $0x6  }
0xa7: {  	[tilespmem:s26+$0xF0] =	vst v6;
	v57 =	vshrl.u32 v20, $0x9;
	v39 =	vshrl.u32 v20, $0xC;
	v42 =	vshll.u32 v0, v40  }
0xa8: {  	[tilespmem:s26+$0xFFFFFF80] =	vst v55;
	v47 =	vshrl.u32 v20, $0xF;
	v48 =	vshra.s32 v20, $0x12;
	v23 =	vand.u32 $0x7, v23  }
0xa9: {  	[tilespmem:s26+$0x100] =	vst v1;
	v24 =	vand.u32 $0x7, v56;
	v26 =	vand.u32 $0x7, v57;
	v49 =	vcvt.s32.f32 v48  }
0xaa: {  	[tilespmem:s26+$0x0] =	vst v22;
	v7 =	vand.u32 $0x7, v39;
	v5 =	vadd.s32 v5, v42;
	v23 =	vcvt.s32.f32 v23  }
0xab: {  	v14 =	vld [tilespmem:s25+$0xFFFFFFB0];
	v8 =	vand.u32 $0x7, v47;
	v57 =	vmin.f32 v25, v28;
	v24 =	vcvt.s32.f32 v24;
	[tilespmem:s24+$0x150] =	vst v49  }
0xac: {  	v25 =	vmin.f32 v58, v16;
	v28 =	vmul.u32 $0x3, v21;
	v41 =	vcvt.s32.f32 v26;
	[tilespmem:s24+$0xFFFFFED0] =	vst v23  }
0xad: {  	v35 =	vmul.u32 $0x3, v19;
	v7 =	vcvt.s32.f32 v7;
	v5 =	vadd.s32 v46, v5;
	[tilespmem:s24+$0xFFFFFF50] =	vst v24  }
0xae: {  	v42 =	vshll.u32 v0, v9;
	v2 =	vcvt.s32.f32 v8;
	v5 =	vadd.s32 v10, v5;
	[tilespmem:s24+$0xFFFFFFD0] =	vst v41  }
0xaf: {  	v33 =	vshll.u32 v0, v28;
	v39 =	vshll.u32 v0, v35;
	v5 =	vadd.s32 v11, v5;
	[tilespmem:s24+$0x50] =	vst v7  }
0xb0: {  	v26 =	vld [tilespmem:s25+$0x130];
	v24 =	vtrunc.f32 v14;
	[tilespmem:s24+$0xD0] =	vst v2;
	v2 =	vmax.f32 v60, v59;
	v11 =	vshrl.u32 v5, $0x3  }
0xb1: {  	v54 =	vshrl.u32 v5, $0x6;
	v56 =	vshrl.u32 v5, $0x9;
	v23 =	vcvt.f32.s32 v24;
	[tilespmem:s26+$0xFFFFFF10] =	vst v50  }
0xb2: {  	v30 =	vshrl.u32 v5, $0xC;
	[tilespmem:s26+$0xFFFFFF90] =	vst v52;
	v43 =	vmin.f32 v57, v2;
	v11 =	vand.u32 $0x7, v11  }
0xb3: {  	[tilespmem:s26+$0x10] =	vst v53;
	v55 =	vand.u32 $0x7, v54;
	v13 =	vand.u32 $0x7, v56;
	v31 =	vmul.u32 $0x3, v23  }
0xb4: {  	[tilespmem:s26+$0x90] =	vst v3;
	v10 =	vand.u32 $0x7, v30;
	v1 =	vcvt.s32.f32 v11;
	v11 =	vcvt.s32.f32 v55  }
0xb5: {  	[tilespmem:s26+$0x110] =	vst v12;
	v32 =	vcvt.s32.f32 v13;
	v38 =	vtrunc.f32 v26;
	v34 =	vshll.u32 v0, v31  }
0xb6: {  	v10 =	vcvt.s32.f32 v10;
	v13 =	vcvt.f32.s32 v38;
	[tilespmem:s24+$0xFFFFFEE0] =	vst v1;
	v3 =	vadd.s32 v33, v34  }
0xb7: {  	[tilespmem:s24+$0xFFFFFF60] =	vst v11;
	v1 =	vadd.s32 v39, v3;
	v3 =	vshrl.u32 v5, $0xF;
	v5 =	vshra.s32 v5, $0x12  }
0xb8: {  	v2 =	vmax.f32 v57, v2;
	[tilespmem:s24+$0xFFFFFFE0] =	vst v32;
	v3 =	vand.u32 $0x7, v3;
	v41 =	vcvt.s32.f32 v5  }
0xb9: {  	v45 =	vmax.f32 v43, v62;
	[tilespmem:s24+$0x60] =	vst v10;
	v40 =	vmul.u32 $0x3, v13;
	v3 =	vcvt.s32.f32 v3  }
0xba: {  	v46 =	vmin.f32 v25, v2;
	v2 =	vmax.f32 v25, v2;
	v56 =	vmax.f32 v15, v14;
	[tilespmem:s24+$0x160] =	vst v41  }
0xbb: {  	v1 =	vadd.s32 v42, v1;
	v44 =	vshll.u32 v0, v40;
	[tilespmem:s24+$0xE0] =	vst v3;
	v3 =	vmin.f32 v43, v62  }
0xbc: {  	v4 =	vmax.f32 v46, v45;
	v57 =	vmax.f32 v63, v26;
	v1 =	vadd.s32 v44, v1;
	[tilespmem:s26+$0xFFFFFF20] =	vst v3  }
0xbd: {  	v47 =	vshrl.u32 v1, $0x3;
	v49 =	vshrl.u32 v1, $0x6;
	v51 =	vshrl.u32 v1, $0x9;
	[tilespmem:s26+$0x20] =	vst v4  }
0xbe: {  	v52 =	vshrl.u32 v1, $0xC;
	v55 =	vshrl.u32 v1, $0xF;
	v1 =	vshra.s32 v1, $0x12;
	[tilespmem:s26+$0xA0] =	vst v2  }
0xbf: {  	v50 =	vand.u32 $0x7, v49;
	v1 =	vcvt.s32.f32 v1;
	v3 =	vmin.f32 v46, v45;
	[tilespmem:s26+$0x120] =	vst v27  }
0xc0: {  	v58 =	vmin.f32 v63, v26;
	v53 =	vand.u32 $0x7, v51;
	v2 =	vcvt.s32.f32 v50;
	[tilespmem:s26+$0xFFFFFFA0] =	vst v3  }
0xc1: {  	v59 =	vmin.f32 v18, v57;
	v48 =	vand.u32 $0x7, v47;
	v4 =	vcvt.s32.f32 v53;
	[tilespmem:s24+$0x170] =	vst v1  }
0xc2: {  	v60 =	vmax.f32 v18, v57;
	v3 =	vcvt.s32.f32 v48;
	[tilespmem:s24+$0xFFFFFF70] =	vst v2;
	v2 =	vand.u32 $0x7, v55  }
0xc3: {  	v61 =	vmin.f32 v59, v58;
	v54 =	vand.u32 $0x7, v52;
	[tilespmem:s24+$0xFFFFFFF0] =	vst v4;
	v2 =	vcvt.s32.f32 v2  }
0xc4: {  	v6 =	vmax.f32 v59, v58;
	v5 =	vcvt.s32.f32 v54;
	[tilespmem:s24+$0xFFFFFEF0] =	vst v3;
	v3 =	vmin.f32 v15, v14  }
0xc5: {  	s28 =	sadd.s32 $0x80, s28;
	v62 =	vmin.f32 v56, v60;
	[tilespmem:s24+$0xF0] =	vst v2;
	v2 =	vmin.f32 v3, v6;
	v3 =	vmax.f32 v3, v6  }
0xc6: {  	p1 =	slt.u32 s28, $0x780;
	[tilespmem:s24+$0x70] =	vst v5;
	v1 =	vmin.f32 v2, v61;
	v2 =	vmax.f32 v2, v61;
	v63 =	vmin.f32 v62, v3  }
.Ltmp0:
0xc7: {  	[tilespmem:s26+$0xFFFFFF30] =	vst v1;
	v1 =	vmin.f32 v63, v2;
	(pc) =	sbr.rel @p1 .LBB2_3-.Ltmp0, $4  }
0xc8: {  	v2 =	vmax.f32 v63, v2;
	[tilespmem:s26+$0xFFFFFFB0] =	vst v1  }
0xc9: {  	v1 =	vmax.f32 v62, v3;
	[tilespmem:s26+$0x30] =	vst v2  }
0xca: {  	v2 =	vmax.f32 v56, v60;
	[tilespmem:s26+$0xB0] =	vst v1  }
0xcb: {  	s25 =	sadd.s32 $0x400, s25;
	s24 =	sadd.s32 $0x400, s24;
	[tilespmem:s26+$0x130] =	vst v2;
	s26 =	sadd.s32 $0x400, s26  }
0xcc: {  	p1 =	seq.s32 s16, $0xF  }
0xcd: {  	p2 =	seq.s32 @!p1 s18, s11  }
0xce: {  	s18 =	simm.s32 $0x0;
	p1 =	por p1, !p2  }
0xcf: {  	s18 =	sshll.u32 @p1 s21, $0xB  }
0xd0: {  	_ =	strace $0x9000004B;
	s18 =	sand.u32 @p1 $0x1FFFF800, s18  }
0xd1: {  	_ =	strace @p1 $0x8000004C;
	s21 =	sadd.s32 @p1 $0x3, s22;
	s22 =	sadd.s32 @p1 s2, s18  }
0xd2: {  	[hbm4b:s22+s5] =	stream.linear.scatter @p1 [tilespmem:s23], [sflag:s21], $0x4000, $0x200038;
	[tilespmem:$0x18000] =	vst v63  }
0xd3: {  	s19 =	sadd.s32 @p1 $0x5, s19;
	_ =	strace @p1 $0x9000004C  }
0xd4: {  	s13 =	sadd.s32 @p1 $0x1, s13;
	s18 =	sadd.s32 @p1 s3, s18;
	_ =	strace @p1 $0x8000004D  }
0xd5: {  	[hbm4b:s18+s5] =	stream.linear.scatter @p1 [tilespmem:s20], [sflag:s19], $0x4000, $0x200038;
	[tilespmem:$0x18000] =	vst v63  }
0xd6: {  	s18 =	simm.s32 @p1 $0x1;
	_ =	strace @p1 $0x9000004D;
	p1 =	seq.s32 s16, $0x0  }
0xd7: {  	s19 =	sand.u32 @!p1 $0x1, s17  }
0xd8: {  	_ =	strace @!p1 $0x8000004E;
	s19 =	sadd.s32 @!p1 $0x3, s19  }
0xd9: {  	_ =	swait.ge @!p1 [sflag:s19], $0x4000  }
0xda: {  	s20 =	simm.s32 $0x1;
	[sflag:s19] =	ssyncset.done @!p1 $0x0  }
0xdb: {  	s20 =	simm.s32 @!p0 $0x0;
	[sflag:s19] =	ssyncadd.s32 @!p1 $0xFFFFC000  }
0xdc: {  	s16 =	sadd.s32 $0x1, s16;
	s19 =	sand.u32 @!p1 $0x1, s10;
	_ =	strace @!p1 $0x9000004E  }
0xdd: {  	p0 =	sne.s32 s16, $0x10;
	s19 =	sadd.s32 @!p1 $0x5, s19;
	_ =	strace @!p1 $0x8000004F  }
.Ltmp1:
0xde: {  	_ =	swait.ge @!p1 [sflag:s19], $0x4000;
	(pc) =	sbr.rel @p0 .LBB2_2-.Ltmp1, $4  }
0xdf: {  	s12 =	sadd.s32 s12, s18;
	[sflag:s19] =	ssyncset.done @!p1 $0x0  }
0xe0: {  	s14 =	sadd.s32 s14, s18;
	[sflag:s19] =	ssyncadd.s32 @!p1 $0xFFFFC000;
	s19 =	simm.s32 @!p1 $0x1  }
0xe1: {  	s15 =	sadd.s32 s20, s15;
	s25 =	sadd.s32 @!p1 $0x1, s17;
	s19 =	simm.s32 @p1 $0x0  }
0xe2: {  	s25 =	smov.u32 @p1 s17;
	_ =	strace @!p1 $0x9000004F;
	s10 =	sadd.s32 s10, s19  }
0xe3: {  	s11 =	sand.u32 $0x1, s25  }
0xe4: {  	_ =	strace $0x80000050;
	s11 =	sadd.s32 $0x3, s11  }
0xe5: {  	s9 =	sadd.s32 $0x1, s9;
	_ =	swait.ge [sflag:s11], $0x4000  }
0xe6: {  	s10 =	sand.u32 $0x1, s10;
	p0 =	sne.s32 s9, s8;
	[sflag:s11] =	ssyncset.done $0x0  }
.Ltmp2:
0xe7: {  	s10 =	sadd.s32 $0x5, s10;
	[sflag:s11] =	ssyncadd.s32 $0xFFFFC000;
	(pc) =	sbr.rel @p0 .LBB2_1-.Ltmp2, $4  }
0xe8: {  	_ =	swait.ge [sflag:s10], $0x4000  }
0xe9: {  	[sflag:s10] =	ssyncset.done $0x0  }
0xea: {  	[sflag:s10] =	ssyncadd.s32 $0xFFFFC000  }
0xeb: {  	_ =	strace $0x90000050  }
0xec: {  	_ =	sfence.sel $0x180000  }
0xed: {  	[bflag:$0x0] =	sbarrier.arrive $0xFFFF  }
0xee: {  	p0 =	sne.s32 s4, $0x0;
	_ =	strace $0x90000047  }
0xef: {  	s0 =	sadd.s32 @!p0 $0x100000, s0;
	[bflag:$0x2] =	sbarrier.arrive $0xFFFF  }
0xf0: {  	[sflag:s0] =	ssyncadd.tile.s32 @!p0 $0x1;
	_ =	shalt  }
.Lfunc_end2:
_tile_overlayer_lowered:
.L_overlay_start_2:
0xf1: {  	(tag) =	ssettag $0x2  }
0xf2: {  	s0 =	rddreg [dreg:$0x0];
	s2 =	stileid.u32  }
0xf3: {  	s1 =	rddreg [dreg:$0x1];
	p0 =	sne.s32 s2, $0x0  }
0xf4: {  	s3 =	rddreg [dreg:$0x2];
	[bflag:$0x3] =	sbarrier.arrive $0xFFFF;
	s2 =	simm.s32 @!p0 $0x1C01  }
0xf5: {  	[timem:s3], [sflag:s2] =	dma.local @!p0 [hbm:s0], s1  }
0xf6: {  	s0 =	simm.s32 @!p0 $0x1  }
0xf7: {  	_ =	swait.ge @!p0 [sflag:s0], s1  }
0xf8: {  	s1 =	ssub.s32 @!p0 $0x0, s1;
	[sflag:s0] =	ssyncset.done @!p0 $0x0  }
0xf9: {  	[sflag:s0] =	ssyncadd.s32 @!p0 s1  }
0xfa: {  	[bflag:$0x3] =	sbarrier.arrive $0xFFFF  }
0xfb: {  	_ =	shalt  }

</sc_bundles>
